<compile_context>
chip_gen: v7x
topology: tpu7x:2x2x1
jax: 0.10.2.dev20260603
libtpu: 0.0.44.dev20260713+nightly
codegen_flags: <defaults>
</compile_context>

<pallas_src>
import functools

import jax
import jax.numpy as jnp
from jax import lax
from jax.experimental import pallas as pl
from jax.experimental.pallas import tpu as pltpu
from jax.experimental.pallas import tpu_sc as plsc

NUM_ROWS = 100000
DIM = 128
NUM_IDX = 50000
EPS = 1e-8

SC_TILES = 16
SC_CHUNKS = 25
SC_LANEBLK = 128
PAD_IDX = SC_TILES * SC_CHUNKS * SC_LANEBLK

BLK = 25000
NUM_BLKS = NUM_ROWS // BLK


def _sc_histogram(idx3, val3, zeros_hbm):
  mesh = plsc.VectorSubcoreMesh(core_axis_name="c", subcore_axis_name="s")

  @functools.partial(
      pl.kernel,
      mesh=mesh,
      out_type=[
          jax.ShapeDtypeStruct((NUM_ROWS,), jnp.float32),
          jax.ShapeDtypeStruct((NUM_ROWS,), jnp.float32),
      ],
      scratch_types=[
          pltpu.VMEM((SC_CHUNKS, SC_LANEBLK), jnp.int32),
          pltpu.VMEM((SC_CHUNKS, SC_LANEBLK), jnp.float32),
          pltpu.VMEM_SHARED((NUM_ROWS,), jnp.float32),
          pltpu.SemaphoreType.DMA,
      ],
  )
  def k(idx_hbm, val_hbm, zero_hbm, out_p, out_n, idx_v, val_v, shared, sem):
    c = lax.axis_index("c")
    s = lax.axis_index("s")

    @pl.when(s == 0)
    def _():
      pltpu.sync_copy(zero_hbm, shared)

    pltpu.sync_copy(idx_hbm.at[c, s], idx_v)
    pltpu.sync_copy(val_hbm.at[s], val_v)
    plsc.subcore_barrier()

    copies = [
        pltpu.async_copy(val_v.at[j], shared.at[idx_v.at[j]], sem, add=True)
        for j in range(SC_CHUNKS)
    ]
    for cpy in copies:
      cpy.wait()

    plsc.subcore_barrier()

    @pl.when((s == 0) & (c == 0))
    def _():
      pltpu.sync_copy(shared, out_p)

    @pl.when((s == 0) & (c == 1))
    def _():
      pltpu.sync_copy(shared, out_n)

  return k(idx3, val3, zeros_hbm)


def _tc_loss_body(emb_ref, cp_ref, cn_ref, out_ref, acc_ref):
  i = pl.program_id(0)
  e = emb_ref[...]
  eb = e.astype(jnp.bfloat16)
  sqb = eb * eb
  ones8 = jnp.ones((8, DIM), jnp.bfloat16)
  n28 = lax.dot_general(ones8, sqb, (((1,), (1,)), ((), ())),
                        preferred_element_type=jnp.float32)
  n2l = n28[0:1]
  m = lax.rsqrt(jnp.maximum(n2l, EPS * EPS))
  cp = cp_ref[0]
  cn = cn_ref[0]
  w = jnp.concatenate(
      [cp, cn, cp * m, cn * m,
       jnp.zeros((4, BLK), jnp.float32)], axis=0)
  part = jnp.dot(w.astype(jnp.bfloat16), eb,
                 preferred_element_type=jnp.float32)

  @pl.when(i == 0)
  def _():
    acc_ref[...] = jnp.zeros_like(acc_ref)

  acc_ref[...] += part

  @pl.when(i == NUM_BLKS - 1)
  def _():
    a = acc_ref[...]
    n = jnp.float32(NUM_IDX)
    sp, sn, tp, tn = a[0], a[1], a[2], a[3]
    mcp = jnp.sum(sp * tp) / (n * jnp.maximum(jnp.sqrt(jnp.sum(sp * sp)),
                                              n * EPS))
    mcn = jnp.sum(sn * tn) / (n * jnp.maximum(jnp.sqrt(jnp.sum(sn * sn)),
                                              n * EPS))
    out_ref[...] = jnp.full((1, 1), 2.0 - mcp - mcn, jnp.float32)


def _tc_loss(embeddings, cp3, cn3):
  return pl.pallas_call(
      _tc_loss_body,
      grid=(NUM_BLKS,),
      in_specs=[
          pl.BlockSpec((BLK, DIM), lambda i: (i, 0)),
          pl.BlockSpec((1, 1, BLK), lambda i: (i, 0, 0)),
          pl.BlockSpec((1, 1, BLK), lambda i: (i, 0, 0)),
      ],
      out_specs=pl.BlockSpec((1, 1), lambda i: (0, 0)),
      out_shape=jax.ShapeDtypeStruct((1, 1), jnp.float32),
      scratch_shapes=[pltpu.VMEM((8, DIM), jnp.float32)],
  )(embeddings, cp3, cn3)


def kernel(embeddings, positive_nodes, negative_nodes):
  pad = PAD_IDX - NUM_IDX
  idx_p = jnp.concatenate(
      [positive_nodes.astype(jnp.int32),
       jnp.zeros((pad,), jnp.int32)]).reshape(SC_TILES, SC_CHUNKS, SC_LANEBLK)
  idx_n = jnp.concatenate(
      [negative_nodes.astype(jnp.int32),
       jnp.zeros((pad,), jnp.int32)]).reshape(SC_TILES, SC_CHUNKS, SC_LANEBLK)
  idx3 = jnp.stack([idx_p, idx_n], axis=0)
  val3 = jnp.concatenate(
      [jnp.ones((NUM_IDX,), jnp.float32),
       jnp.zeros((pad,), jnp.float32)]).reshape(SC_TILES, SC_CHUNKS,
                                                SC_LANEBLK)
  zeros_hbm = jnp.zeros((NUM_ROWS,), jnp.float32)

  hp, hn = _sc_histogram(idx3, val3, zeros_hbm)
  cp3 = hp.reshape(NUM_BLKS, 1, BLK)
  cn3 = hn.reshape(NUM_BLKS, 1, BLK)
  loss = _tc_loss(embeddings, cp3, cn3)
  return loss[0, 0]

# --- scband reference (transcript-rebuilt; emitter-appended) ---
"""Pipeline reference for scband-distance-centroid-27504970563870 (READ-ONLY COPY).

The authoritative reference and input builder live on the scoring server;
editing this copy changes nothing except your own understanding.
"""

import jax, jax.numpy as jnp
import numpy as np

EPS = 1e-8

def _cosine_sim(a, b):
    # torch.nn.functional.cosine_similarity semantics with eps=1e-8
    na = jnp.maximum(jnp.linalg.norm(a, axis=-1), EPS)
    nb = jnp.maximum(jnp.linalg.norm(b, axis=-1), EPS)
    return jnp.sum(a * b, axis=-1) / (na * nb)

def setup_inputs(seed: int = 0) -> dict:
    key = jax.random.key(seed)
    k1, k2, k3 = jax.random.split(key, 3)
    embeddings = jax.random.normal(k1, (100000, 128), dtype=jnp.float32)
    positive_nodes = jax.random.randint(k2, (50000,), 0, 100000, dtype=jnp.int64 if jax.config.jax_enable_x64 else jnp.int32)
    negative_nodes = jax.random.randint(k3, (50000,), 0, 100000, dtype=jnp.int64 if jax.config.jax_enable_x64 else jnp.int32)
    return {"embeddings": embeddings, "positive_nodes": positive_nodes, "negative_nodes": negative_nodes}

def reference(embeddings, positive_nodes, negative_nodes):
    pos_emb = jnp.take(embeddings, positive_nodes, axis=0)
    pos_centroid = pos_emb.mean(axis=0)
    pos_loss = 2.0 - 2.0 * _cosine_sim(pos_emb, pos_centroid[None, :]).mean()
    neg_emb = jnp.take(embeddings, negative_nodes, axis=0)
    neg_centroid = neg_emb.mean(axis=0)
    neg_loss = 2.0 - 2.0 * _cosine_sim(neg_emb, neg_centroid[None, :]).mean()
    total_loss = (pos_loss + neg_loss) / 2.0
    return total_loss

if __name__ == "__main__":
    import jax
    _d = setup_inputs()
    print(jax.jit(kernel)(*tuple(_d.values())))

</pallas_src>

<mosaic_0001>
#map = affine_map<(d0, d1) -> (0, 0, 0, 0)>
#map1 = affine_map<(d0, d1) -> (0, 0, 0)>
#map2 = affine_map<(d0, d1) -> (0)>
module attributes {stable_mosaic.version = 14 : i64} {
  func.func @k(%arg0: i32, %arg1: i32, %arg2: memref<2x16x25x128xi32, #tpu.memory_space<hbm>>, %arg3: memref<16x25x128xf32, #tpu.memory_space<hbm>>, %arg4: memref<100000xf32, #tpu.memory_space<hbm>>, %arg5: memref<100000xf32, #tpu.memory_space<hbm>>, %arg6: memref<100000xf32, #tpu.memory_space<hbm>>, %arg7: memref<25x128xi32, #tpu.memory_space<vmem>>, %arg8: memref<25x128xf32, #tpu.memory_space<vmem>>, %arg9: memref<100000xf32, #tpu.memory_space<vmem_shared>>, %arg10: memref<!tpu.dma_semaphore, #tpu.memory_space<semaphore_mem>>) attributes {dimension_semantics = [#tpu.dimension_semantics<core_parallel>, #tpu.dimension_semantics<subcore_parallel>], iteration_bounds = array<i64: 2, 16>, scalar_prefetch = 0 : i64, scratch_operands = 4 : i64, tpu.core_type = #tpu.core_type<sc_vector_subcore>, window_params = [{transform_indices = #map}, {transform_indices = #map1}, {transform_indices = #map2}, {transform_indices = #map2}, {transform_indices = #map2}]} {
    %eq3A = arith.constant 0 : i32
    %eq3A_0 = arith.cmpi eq, %arg1, %eq3A : i32
    %convert_element_type3A = arith.extui %eq3A_0 : i1 to i32
    %cond3A = arith.constant 0 : i32
    %cond3A_1 = arith.cmpi ne, %convert_element_type3A, %cond3A : i32
    scf.if %cond3A_1 {
      "tpu.region"() ({
        %run_scoped3A = tpu.sem_alloc : memref<!tpu.dma_semaphore, #tpu.memory_space<semaphore_mem>>
        tpu.enqueue_dma source(%arg4 : memref<100000xf32, #tpu.memory_space<hbm>>) target(%arg9 : memref<100000xf32, #tpu.memory_space<vmem_shared>>) target_semaphore(%run_scoped3A : memref<!tpu.dma_semaphore, #tpu.memory_space<semaphore_mem>>)
        tpu.wait_dma2 semaphore(%run_scoped3A : memref<!tpu.dma_semaphore, #tpu.memory_space<semaphore_mem>>) src(%arg4 : memref<100000xf32, #tpu.memory_space<hbm>>) dst(%arg9 : memref<100000xf32, #tpu.memory_space<vmem_shared>>)
        tpu.yield
      }) : () -> ()
    } else {
    }
    "tpu.region"() ({
      %run_scoped3A = tpu.sem_alloc : memref<!tpu.dma_semaphore, #tpu.memory_space<semaphore_mem>>
      %dma_start3A_516 = arith.constant 0 : i32
      %dma_start3A_517 = arith.constant 0 : i32
      %dma_start3A_518 = tpu.memref_slice %arg2[%arg0, %arg1, %dma_start3A_516, %dma_start3A_517] : memref<2x16x25x128xi32, #tpu.memory_space<hbm>> -> memref<1x1x25x128xi32, #tpu.memory_space<hbm>>
      %dma_start3A_519 = tpu.memref_squeeze %dma_start3A_518 : memref<1x1x25x128xi32, #tpu.memory_space<hbm>> -> memref<25x128xi32, #tpu.memory_space<hbm>>
      %dma_start3A_520 = arith.constant 0 : i32
      %dma_start3A_521 = arith.constant 0 : i32
      %dma_start3A_522 = tpu.memref_slice %arg2[%arg0, %arg1, %dma_start3A_520, %dma_start3A_521] : memref<2x16x25x128xi32, #tpu.memory_space<hbm>> -> memref<1x1x25x128xi32, #tpu.memory_space<hbm>>
      %dma_start3A_523 = tpu.memref_squeeze %dma_start3A_522 : memref<1x1x25x128xi32, #tpu.memory_space<hbm>> -> memref<25x128xi32, #tpu.memory_space<hbm>>
      tpu.enqueue_dma source(%dma_start3A_523 : memref<25x128xi32, #tpu.memory_space<hbm>>) target(%arg7 : memref<25x128xi32, #tpu.memory_space<vmem>>) target_semaphore(%run_scoped3A : memref<!tpu.dma_semaphore, #tpu.memory_space<semaphore_mem>>)
      %dma_wait3A_524 = arith.constant 0 : i32
      %dma_wait3A_525 = arith.constant 0 : i32
      %dma_wait3A_526 = tpu.memref_slice %arg2[%arg0, %arg1, %dma_wait3A_524, %dma_wait3A_525] : memref<2x16x25x128xi32, #tpu.memory_space<hbm>> -> memref<1x1x25x128xi32, #tpu.memory_space<hbm>>
      %dma_wait3A_527 = tpu.memref_squeeze %dma_wait3A_526 : memref<1x1x25x128xi32, #tpu.memory_space<hbm>> -> memref<25x128xi32, #tpu.memory_space<hbm>>
      %dma_wait3A_528 = arith.constant 0 : i32
      %dma_wait3A_529 = arith.constant 0 : i32
      %dma_wait3A_530 = tpu.memref_slice %arg2[%arg0, %arg1, %dma_wait3A_528, %dma_wait3A_529] : memref<2x16x25x128xi32, #tpu.memory_space<hbm>> -> memref<1x1x25x128xi32, #tpu.memory_space<hbm>>
      %dma_wait3A_531 = tpu.memref_squeeze %dma_wait3A_530 : memref<1x1x25x128xi32, #tpu.memory_space<hbm>> -> memref<25x128xi32, #tpu.memory_space<hbm>>
      tpu.wait_dma2 semaphore(%run_scoped3A : memref<!tpu.dma_semaphore, #tpu.memory_space<semaphore_mem>>) src(%dma_wait3A_531 : memref<25x128xi32, #tpu.memory_space<hbm>>) dst(%arg7 : memref<25x128xi32, #tpu.memory_space<vmem>>)
      tpu.yield
    }) : () -> ()
    "tpu.region"() ({
      %run_scoped3A = tpu.sem_alloc : memref<!tpu.dma_semaphore, #tpu.memory_space<semaphore_mem>>
      %dma_start3A_516 = arith.constant 0 : i32
      %dma_start3A_517 = arith.constant 0 : i32
      %dma_start3A_518 = tpu.memref_slice %arg3[%arg1, %dma_start3A_516, %dma_start3A_517] : memref<16x25x128xf32, #tpu.memory_space<hbm>> -> memref<1x25x128xf32, #tpu.memory_space<hbm>>
      %dma_start3A_519 = tpu.memref_squeeze %dma_start3A_518 : memref<1x25x128xf32, #tpu.memory_space<hbm>> -> memref<25x128xf32, #tpu.memory_space<hbm>>
      %dma_start3A_520 = arith.constant 0 : i32
      %dma_start3A_521 = arith.constant 0 : i32
      %dma_start3A_522 = tpu.memref_slice %arg3[%arg1, %dma_start3A_520, %dma_start3A_521] : memref<16x25x128xf32, #tpu.memory_space<hbm>> -> memref<1x25x128xf32, #tpu.memory_space<hbm>>
      %dma_start3A_523 = tpu.memref_squeeze %dma_start3A_522 : memref<1x25x128xf32, #tpu.memory_space<hbm>> -> memref<25x128xf32, #tpu.memory_space<hbm>>
      tpu.enqueue_dma source(%dma_start3A_523 : memref<25x128xf32, #tpu.memory_space<hbm>>) target(%arg8 : memref<25x128xf32, #tpu.memory_space<vmem>>) target_semaphore(%run_scoped3A : memref<!tpu.dma_semaphore, #tpu.memory_space<semaphore_mem>>)
      %dma_wait3A_524 = arith.constant 0 : i32
      %dma_wait3A_525 = arith.constant 0 : i32
      %dma_wait3A_526 = tpu.memref_slice %arg3[%arg1, %dma_wait3A_524, %dma_wait3A_525] : memref<16x25x128xf32, #tpu.memory_space<hbm>> -> memref<1x25x128xf32, #tpu.memory_space<hbm>>
      %dma_wait3A_527 = tpu.memref_squeeze %dma_wait3A_526 : memref<1x25x128xf32, #tpu.memory_space<hbm>> -> memref<25x128xf32, #tpu.memory_space<hbm>>
      %dma_wait3A_528 = arith.constant 0 : i32
      %dma_wait3A_529 = arith.constant 0 : i32
      %dma_wait3A_530 = tpu.memref_slice %arg3[%arg1, %dma_wait3A_528, %dma_wait3A_529] : memref<16x25x128xf32, #tpu.memory_space<hbm>> -> memref<1x25x128xf32, #tpu.memory_space<hbm>>
      %dma_wait3A_531 = tpu.memref_squeeze %dma_wait3A_530 : memref<1x25x128xf32, #tpu.memory_space<hbm>> -> memref<25x128xf32, #tpu.memory_space<hbm>>
      tpu.wait_dma2 semaphore(%run_scoped3A : memref<!tpu.dma_semaphore, #tpu.memory_space<semaphore_mem>>) src(%dma_wait3A_531 : memref<25x128xf32, #tpu.memory_space<hbm>>) dst(%arg8 : memref<25x128xf32, #tpu.memory_space<vmem>>)
      tpu.yield
    }) : () -> ()
    %barrier3A = arith.constant 0 : index
    tpu.barrier barrier_id(%barrier3A)
    %dma_start3A = arith.constant 0 : i32
    %dma_start3A_2 = arith.constant 0 : i32
    %dma_start3A_3 = arith.constant 0 : i32
    %dma_start3A_4 = tpu.memref_slice %arg8[%dma_start3A, %dma_start3A_3] : memref<25x128xf32, #tpu.memory_space<vmem>> -> memref<1x128xf32, #tpu.memory_space<vmem>>
    %dma_start3A_5 = tpu.memref_squeeze %dma_start3A_4 : memref<1x128xf32, #tpu.memory_space<vmem>> -> memref<128xf32, #tpu.memory_space<vmem>>
    %dma_start3A_6 = arith.constant 0 : i32
    %dma_start3A_7 = tpu.memref_slice %arg7[%dma_start3A_2, %dma_start3A_6] : memref<25x128xi32, #tpu.memory_space<vmem>> -> memref<1x128xi32, #tpu.memory_space<vmem>>
    %dma_start3A_8 = tpu.memref_squeeze %dma_start3A_7 : memref<1x128xi32, #tpu.memory_space<vmem>> -> memref<128xi32, #tpu.memory_space<vmem>>
    %dma_start3A_9 = arith.constant 0 : i32
    %dma_start3A_10 = tpu.memref_slice %arg9[%dma_start3A_9] : memref<100000xf32, #tpu.memory_space<vmem_shared>> -> memref<100000xf32, #tpu.memory_space<vmem_shared>>
    tpu.enqueue_indirect_dma source(%dma_start3A_5 : memref<128xf32, #tpu.memory_space<vmem>>) target(%dma_start3A_10 : memref<100000xf32, #tpu.memory_space<vmem_shared>>) offsets(%dma_start3A_8 : memref<128xi32, #tpu.memory_space<vmem>>) semaphore(%arg10 : memref<!tpu.dma_semaphore, #tpu.memory_space<semaphore_mem>>) {add = true}
    %dma_start3A_11 = arith.constant 1 : i32
    %dma_start3A_12 = arith.constant 1 : i32
    %dma_start3A_13 = arith.constant 0 : i32
    %dma_start3A_14 = tpu.memref_slice %arg8[%dma_start3A_11, %dma_start3A_13] : memref<25x128xf32, #tpu.memory_space<vmem>> -> memref<1x128xf32, #tpu.memory_space<vmem>>
    %dma_start3A_15 = tpu.memref_squeeze %dma_start3A_14 : memref<1x128xf32, #tpu.memory_space<vmem>> -> memref<128xf32, #tpu.memory_space<vmem>>
    %dma_start3A_16 = arith.constant 0 : i32
    %dma_start3A_17 = tpu.memref_slice %arg7[%dma_start3A_12, %dma_start3A_16] : memref<25x128xi32, #tpu.memory_space<vmem>> -> memref<1x128xi32, #tpu.memory_space<vmem>>
    %dma_start3A_18 = tpu.memref_squeeze %dma_start3A_17 : memref<1x128xi32, #tpu.memory_space<vmem>> -> memref<128xi32, #tpu.memory_space<vmem>>
    %dma_start3A_19 = arith.constant 0 : i32
    %dma_start3A_20 = tpu.memref_slice %arg9[%dma_start3A_19] : memref<100000xf32, #tpu.memory_space<vmem_shared>> -> memref<100000xf32, #tpu.memory_space<vmem_shared>>
    tpu.enqueue_indirect_dma source(%dma_start3A_15 : memref<128xf32, #tpu.memory_space<vmem>>) target(%dma_start3A_20 : memref<100000xf32, #tpu.memory_space<vmem_shared>>) offsets(%dma_start3A_18 : memref<128xi32, #tpu.memory_space<vmem>>) semaphore(%arg10 : memref<!tpu.dma_semaphore, #tpu.memory_space<semaphore_mem>>) {add = true}
    %dma_start3A_21 = arith.constant 2 : i32
    %dma_start3A_22 = arith.constant 2 : i32
    %dma_start3A_23 = arith.constant 0 : i32
    %dma_start3A_24 = tpu.memref_slice %arg8[%dma_start3A_21, %dma_start3A_23] : memref<25x128xf32, #tpu.memory_space<vmem>> -> memref<1x128xf32, #tpu.memory_space<vmem>>
    %dma_start3A_25 = tpu.memref_squeeze %dma_start3A_24 : memref<1x128xf32, #tpu.memory_space<vmem>> -> memref<128xf32, #tpu.memory_space<vmem>>
    %dma_start3A_26 = arith.constant 0 : i32
    %dma_start3A_27 = tpu.memref_slice %arg7[%dma_start3A_22, %dma_start3A_26] : memref<25x128xi32, #tpu.memory_space<vmem>> -> memref<1x128xi32, #tpu.memory_space<vmem>>
    %dma_start3A_28 = tpu.memref_squeeze %dma_start3A_27 : memref<1x128xi32, #tpu.memory_space<vmem>> -> memref<128xi32, #tpu.memory_space<vmem>>
    %dma_start3A_29 = arith.constant 0 : i32
    %dma_start3A_30 = tpu.memref_slice %arg9[%dma_start3A_29] : memref<100000xf32, #tpu.memory_space<vmem_shared>> -> memref<100000xf32, #tpu.memory_space<vmem_shared>>
    tpu.enqueue_indirect_dma source(%dma_start3A_25 : memref<128xf32, #tpu.memory_space<vmem>>) target(%dma_start3A_30 : memref<100000xf32, #tpu.memory_space<vmem_shared>>) offsets(%dma_start3A_28 : memref<128xi32, #tpu.memory_space<vmem>>) semaphore(%arg10 : memref<!tpu.dma_semaphore, #tpu.memory_space<semaphore_mem>>) {add = true}
    %dma_start3A_31 = arith.constant 3 : i32
    %dma_start3A_32 = arith.constant 3 : i32
    %dma_start3A_33 = arith.constant 0 : i32
    %dma_start3A_34 = tpu.memref_slice %arg8[%dma_start3A_31, %dma_start3A_33] : memref<25x128xf32, #tpu.memory_space<vmem>> -> memref<1x128xf32, #tpu.memory_space<vmem>>
    %dma_start3A_35 = tpu.memref_squeeze %dma_start3A_34 : memref<1x128xf32, #tpu.memory_space<vmem>> -> memref<128xf32, #tpu.memory_space<vmem>>
    %dma_start3A_36 = arith.constant 0 : i32
    %dma_start3A_37 = tpu.memref_slice %arg7[%dma_start3A_32, %dma_start3A_36] : memref<25x128xi32, #tpu.memory_space<vmem>> -> memref<1x128xi32, #tpu.memory_space<vmem>>
    %dma_start3A_38 = tpu.memref_squeeze %dma_start3A_37 : memref<1x128xi32, #tpu.memory_space<vmem>> -> memref<128xi32, #tpu.memory_space<vmem>>
    %dma_start3A_39 = arith.constant 0 : i32
    %dma_start3A_40 = tpu.memref_slice %arg9[%dma_start3A_39] : memref<100000xf32, #tpu.memory_space<vmem_shared>> -> memref<100000xf32, #tpu.memory_space<vmem_shared>>
    tpu.enqueue_indirect_dma source(%dma_start3A_35 : memref<128xf32, #tpu.memory_space<vmem>>) target(%dma_start3A_40 : memref<100000xf32, #tpu.memory_space<vmem_shared>>) offsets(%dma_start3A_38 : memref<128xi32, #tpu.memory_space<vmem>>) semaphore(%arg10 : memref<!tpu.dma_semaphore, #tpu.memory_space<semaphore_mem>>) {add = true}
    %dma_start3A_41 = arith.constant 4 : i32
    %dma_start3A_42 = arith.constant 4 : i32
    %dma_start3A_43 = arith.constant 0 : i32
    %dma_start3A_44 = tpu.memref_slice %arg8[%dma_start3A_41, %dma_start3A_43] : memref<25x128xf32, #tpu.memory_space<vmem>> -> memref<1x128xf32, #tpu.memory_space<vmem>>
    %dma_start3A_45 = tpu.memref_squeeze %dma_start3A_44 : memref<1x128xf32, #tpu.memory_space<vmem>> -> memref<128xf32, #tpu.memory_space<vmem>>
    %dma_start3A_46 = arith.constant 0 : i32
    %dma_start3A_47 = tpu.memref_slice %arg7[%dma_start3A_42, %dma_start3A_46] : memref<25x128xi32, #tpu.memory_space<vmem>> -> memref<1x128xi32, #tpu.memory_space<vmem>>
    %dma_start3A_48 = tpu.memref_squeeze %dma_start3A_47 : memref<1x128xi32, #tpu.memory_space<vmem>> -> memref<128xi32, #tpu.memory_space<vmem>>
    %dma_start3A_49 = arith.constant 0 : i32
    %dma_start3A_50 = tpu.memref_slice %arg9[%dma_start3A_49] : memref<100000xf32, #tpu.memory_space<vmem_shared>> -> memref<100000xf32, #tpu.memory_space<vmem_shared>>
    tpu.enqueue_indirect_dma source(%dma_start3A_45 : memref<128xf32, #tpu.memory_space<vmem>>) target(%dma_start3A_50 : memref<100000xf32, #tpu.memory_space<vmem_shared>>) offsets(%dma_start3A_48 : memref<128xi32, #tpu.memory_space<vmem>>) semaphore(%arg10 : memref<!tpu.dma_semaphore, #tpu.memory_space<semaphore_mem>>) {add = true}
    %dma_start3A_51 = arith.constant 5 : i32
    %dma_start3A_52 = arith.constant 5 : i32
    %dma_start3A_53 = arith.constant 0 : i32
    %dma_start3A_54 = tpu.memref_slice %arg8[%dma_start3A_51, %dma_start3A_53] : memref<25x128xf32, #tpu.memory_space<vmem>> -> memref<1x128xf32, #tpu.memory_space<vmem>>
    %dma_start3A_55 = tpu.memref_squeeze %dma_start3A_54 : memref<1x128xf32, #tpu.memory_space<vmem>> -> memref<128xf32, #tpu.memory_space<vmem>>
    %dma_start3A_56 = arith.constant 0 : i32
    %dma_start3A_57 = tpu.memref_slice %arg7[%dma_start3A_52, %dma_start3A_56] : memref<25x128xi32, #tpu.memory_space<vmem>> -> memref<1x128xi32, #tpu.memory_space<vmem>>
    %dma_start3A_58 = tpu.memref_squeeze %dma_start3A_57 : memref<1x128xi32, #tpu.memory_space<vmem>> -> memref<128xi32, #tpu.memory_space<vmem>>
    %dma_start3A_59 = arith.constant 0 : i32
    %dma_start3A_60 = tpu.memref_slice %arg9[%dma_start3A_59] : memref<100000xf32, #tpu.memory_space<vmem_shared>> -> memref<100000xf32, #tpu.memory_space<vmem_shared>>
    tpu.enqueue_indirect_dma source(%dma_start3A_55 : memref<128xf32, #tpu.memory_space<vmem>>) target(%dma_start3A_60 : memref<100000xf32, #tpu.memory_space<vmem_shared>>) offsets(%dma_start3A_58 : memref<128xi32, #tpu.memory_space<vmem>>) semaphore(%arg10 : memref<!tpu.dma_semaphore, #tpu.memory_space<semaphore_mem>>) {add = true}
    %dma_start3A_61 = arith.constant 6 : i32
    %dma_start3A_62 = arith.constant 6 : i32
    %dma_start3A_63 = arith.constant 0 : i32
    %dma_start3A_64 = tpu.memref_slice %arg8[%dma_start3A_61, %dma_start3A_63] : memref<25x128xf32, #tpu.memory_space<vmem>> -> memref<1x128xf32, #tpu.memory_space<vmem>>
    %dma_start3A_65 = tpu.memref_squeeze %dma_start3A_64 : memref<1x128xf32, #tpu.memory_space<vmem>> -> memref<128xf32, #tpu.memory_space<vmem>>
    %dma_start3A_66 = arith.constant 0 : i32
    %dma_start3A_67 = tpu.memref_slice %arg7[%dma_start3A_62, %dma_start3A_66] : memref<25x128xi32, #tpu.memory_space<vmem>> -> memref<1x128xi32, #tpu.memory_space<vmem>>
    %dma_start3A_68 = tpu.memref_squeeze %dma_start3A_67 : memref<1x128xi32, #tpu.memory_space<vmem>> -> memref<128xi32, #tpu.memory_space<vmem>>
    %dma_start3A_69 = arith.constant 0 : i32
    %dma_start3A_70 = tpu.memref_slice %arg9[%dma_start3A_69] : memref<100000xf32, #tpu.memory_space<vmem_shared>> -> memref<100000xf32, #tpu.memory_space<vmem_shared>>
    tpu.enqueue_indirect_dma source(%dma_start3A_65 : memref<128xf32, #tpu.memory_space<vmem>>) target(%dma_start3A_70 : memref<100000xf32, #tpu.memory_space<vmem_shared>>) offsets(%dma_start3A_68 : memref<128xi32, #tpu.memory_space<vmem>>) semaphore(%arg10 : memref<!tpu.dma_semaphore, #tpu.memory_space<semaphore_mem>>) {add = true}
    %dma_start3A_71 = arith.constant 7 : i32
    %dma_start3A_72 = arith.constant 7 : i32
    %dma_start3A_73 = arith.constant 0 : i32
    %dma_start3A_74 = tpu.memref_slice %arg8[%dma_start3A_71, %dma_start3A_73] : memref<25x128xf32, #tpu.memory_space<vmem>> -> memref<1x128xf32, #tpu.memory_space<vmem>>
    %dma_start3A_75 = tpu.memref_squeeze %dma_start3A_74 : memref<1x128xf32, #tpu.memory_space<vmem>> -> memref<128xf32, #tpu.memory_space<vmem>>
    %dma_start3A_76 = arith.constant 0 : i32
    %dma_start3A_77 = tpu.memref_slice %arg7[%dma_start3A_72, %dma_start3A_76] : memref<25x128xi32, #tpu.memory_space<vmem>> -> memref<1x128xi32, #tpu.memory_space<vmem>>
    %dma_start3A_78 = tpu.memref_squeeze %dma_start3A_77 : memref<1x128xi32, #tpu.memory_space<vmem>> -> memref<128xi32, #tpu.memory_space<vmem>>
    %dma_start3A_79 = arith.constant 0 : i32
    %dma_start3A_80 = tpu.memref_slice %arg9[%dma_start3A_79] : memref<100000xf32, #tpu.memory_space<vmem_shared>> -> memref<100000xf32, #tpu.memory_space<vmem_shared>>
    tpu.enqueue_indirect_dma source(%dma_start3A_75 : memref<128xf32, #tpu.memory_space<vmem>>) target(%dma_start3A_80 : memref<100000xf32, #tpu.memory_space<vmem_shared>>) offsets(%dma_start3A_78 : memref<128xi32, #tpu.memory_space<vmem>>) semaphore(%arg10 : memref<!tpu.dma_semaphore, #tpu.memory_space<semaphore_mem>>) {add = true}
    %dma_start3A_81 = arith.constant 8 : i32
    %dma_start3A_82 = arith.constant 8 : i32
    %dma_start3A_83 = arith.constant 0 : i32
    %dma_start3A_84 = tpu.memref_slice %arg8[%dma_start3A_81, %dma_start3A_83] : memref<25x128xf32, #tpu.memory_space<vmem>> -> memref<1x128xf32, #tpu.memory_space<vmem>>
    %dma_start3A_85 = tpu.memref_squeeze %dma_start3A_84 : memref<1x128xf32, #tpu.memory_space<vmem>> -> memref<128xf32, #tpu.memory_space<vmem>>
    %dma_start3A_86 = arith.constant 0 : i32
    %dma_start3A_87 = tpu.memref_slice %arg7[%dma_start3A_82, %dma_start3A_86] : memref<25x128xi32, #tpu.memory_space<vmem>> -> memref<1x128xi32, #tpu.memory_space<vmem>>
    %dma_start3A_88 = tpu.memref_squeeze %dma_start3A_87 : memref<1x128xi32, #tpu.memory_space<vmem>> -> memref<128xi32, #tpu.memory_space<vmem>>
    %dma_start3A_89 = arith.constant 0 : i32
    %dma_start3A_90 = tpu.memref_slice %arg9[%dma_start3A_89] : memref<100000xf32, #tpu.memory_space<vmem_shared>> -> memref<100000xf32, #tpu.memory_space<vmem_shared>>
    tpu.enqueue_indirect_dma source(%dma_start3A_85 : memref<128xf32, #tpu.memory_space<vmem>>) target(%dma_start3A_90 : memref<100000xf32, #tpu.memory_space<vmem_shared>>) offsets(%dma_start3A_88 : memref<128xi32, #tpu.memory_space<vmem>>) semaphore(%arg10 : memref<!tpu.dma_semaphore, #tpu.memory_space<semaphore_mem>>) {add = true}
    %dma_start3A_91 = arith.constant 9 : i32
    %dma_start3A_92 = arith.constant 9 : i32
    %dma_start3A_93 = arith.constant 0 : i32
    %dma_start3A_94 = tpu.memref_slice %arg8[%dma_start3A_91, %dma_start3A_93] : memref<25x128xf32, #tpu.memory_space<vmem>> -> memref<1x128xf32, #tpu.memory_space<vmem>>
    %dma_start3A_95 = tpu.memref_squeeze %dma_start3A_94 : memref<1x128xf32, #tpu.memory_space<vmem>> -> memref<128xf32, #tpu.memory_space<vmem>>
    %dma_start3A_96 = arith.constant 0 : i32
    %dma_start3A_97 = tpu.memref_slice %arg7[%dma_start3A_92, %dma_start3A_96] : memref<25x128xi32, #tpu.memory_space<vmem>> -> memref<1x128xi32, #tpu.memory_space<vmem>>
    %dma_start3A_98 = tpu.memref_squeeze %dma_start3A_97 : memref<1x128xi32, #tpu.memory_space<vmem>> -> memref<128xi32, #tpu.memory_space<vmem>>
    %dma_start3A_99 = arith.constant 0 : i32
    %dma_start3A_100 = tpu.memref_slice %arg9[%dma_start3A_99] : memref<100000xf32, #tpu.memory_space<vmem_shared>> -> memref<100000xf32, #tpu.memory_space<vmem_shared>>
    tpu.enqueue_indirect_dma source(%dma_start3A_95 : memref<128xf32, #tpu.memory_space<vmem>>) target(%dma_start3A_100 : memref<100000xf32, #tpu.memory_space<vmem_shared>>) offsets(%dma_start3A_98 : memref<128xi32, #tpu.memory_space<vmem>>) semaphore(%arg10 : memref<!tpu.dma_semaphore, #tpu.memory_space<semaphore_mem>>) {add = true}
    %dma_start3A_101 = arith.constant 10 : i32
    %dma_start3A_102 = arith.constant 10 : i32
    %dma_start3A_103 = arith.constant 0 : i32
    %dma_start3A_104 = tpu.memref_slice %arg8[%dma_start3A_101, %dma_start3A_103] : memref<25x128xf32, #tpu.memory_space<vmem>> -> memref<1x128xf32, #tpu.memory_space<vmem>>
    %dma_start3A_105 = tpu.memref_squeeze %dma_start3A_104 : memref<1x128xf32, #tpu.memory_space<vmem>> -> memref<128xf32, #tpu.memory_space<vmem>>
    %dma_start3A_106 = arith.constant 0 : i32
    %dma_start3A_107 = tpu.memref_slice %arg7[%dma_start3A_102, %dma_start3A_106] : memref<25x128xi32, #tpu.memory_space<vmem>> -> memref<1x128xi32, #tpu.memory_space<vmem>>
    %dma_start3A_108 = tpu.memref_squeeze %dma_start3A_107 : memref<1x128xi32, #tpu.memory_space<vmem>> -> memref<128xi32, #tpu.memory_space<vmem>>
    %dma_start3A_109 = arith.constant 0 : i32
    %dma_start3A_110 = tpu.memref_slice %arg9[%dma_start3A_109] : memref<100000xf32, #tpu.memory_space<vmem_shared>> -> memref<100000xf32, #tpu.memory_space<vmem_shared>>
    tpu.enqueue_indirect_dma source(%dma_start3A_105 : memref<128xf32, #tpu.memory_space<vmem>>) target(%dma_start3A_110 : memref<100000xf32, #tpu.memory_space<vmem_shared>>) offsets(%dma_start3A_108 : memref<128xi32, #tpu.memory_space<vmem>>) semaphore(%arg10 : memref<!tpu.dma_semaphore, #tpu.memory_space<semaphore_mem>>) {add = true}
    %dma_start3A_111 = arith.constant 11 : i32
    %dma_start3A_112 = arith.constant 11 : i32
    %dma_start3A_113 = arith.constant 0 : i32
    %dma_start3A_114 = tpu.memref_slice %arg8[%dma_start3A_111, %dma_start3A_113] : memref<25x128xf32, #tpu.memory_space<vmem>> -> memref<1x128xf32, #tpu.memory_space<vmem>>
    %dma_start3A_115 = tpu.memref_squeeze %dma_start3A_114 : memref<1x128xf32, #tpu.memory_space<vmem>> -> memref<128xf32, #tpu.memory_space<vmem>>
    %dma_start3A_116 = arith.constant 0 : i32
    %dma_start3A_117 = tpu.memref_slice %arg7[%dma_start3A_112, %dma_start3A_116] : memref<25x128xi32, #tpu.memory_space<vmem>> -> memref<1x128xi32, #tpu.memory_space<vmem>>
    %dma_start3A_118 = tpu.memref_squeeze %dma_start3A_117 : memref<1x128xi32, #tpu.memory_space<vmem>> -> memref<128xi32, #tpu.memory_space<vmem>>
    %dma_start3A_119 = arith.constant 0 : i32
    %dma_start3A_120 = tpu.memref_slice %arg9[%dma_start3A_119] : memref<100000xf32, #tpu.memory_space<vmem_shared>> -> memref<100000xf32, #tpu.memory_space<vmem_shared>>
    tpu.enqueue_indirect_dma source(%dma_start3A_115 : memref<128xf32, #tpu.memory_space<vmem>>) target(%dma_start3A_120 : memref<100000xf32, #tpu.memory_space<vmem_shared>>) offsets(%dma_start3A_118 : memref<128xi32, #tpu.memory_space<vmem>>) semaphore(%arg10 : memref<!tpu.dma_semaphore, #tpu.memory_space<semaphore_mem>>) {add = true}
    %dma_start3A_121 = arith.constant 12 : i32
    %dma_start3A_122 = arith.constant 12 : i32
    %dma_start3A_123 = arith.constant 0 : i32
    %dma_start3A_124 = tpu.memref_slice %arg8[%dma_start3A_121, %dma_start3A_123] : memref<25x128xf32, #tpu.memory_space<vmem>> -> memref<1x128xf32, #tpu.memory_space<vmem>>
    %dma_start3A_125 = tpu.memref_squeeze %dma_start3A_124 : memref<1x128xf32, #tpu.memory_space<vmem>> -> memref<128xf32, #tpu.memory_space<vmem>>
    %dma_start3A_126 = arith.constant 0 : i32
    %dma_start3A_127 = tpu.memref_slice %arg7[%dma_start3A_122, %dma_start3A_126] : memref<25x128xi32, #tpu.memory_space<vmem>> -> memref<1x128xi32, #tpu.memory_space<vmem>>
    %dma_start3A_128 = tpu.memref_squeeze %dma_start3A_127 : memref<1x128xi32, #tpu.memory_space<vmem>> -> memref<128xi32, #tpu.memory_space<vmem>>
    %dma_start3A_129 = arith.constant 0 : i32
    %dma_start3A_130 = tpu.memref_slice %arg9[%dma_start3A_129] : memref<100000xf32, #tpu.memory_space<vmem_shared>> -> memref<100000xf32, #tpu.memory_space<vmem_shared>>
    tpu.enqueue_indirect_dma source(%dma_start3A_125 : memref<128xf32, #tpu.memory_space<vmem>>) target(%dma_start3A_130 : memref<100000xf32, #tpu.memory_space<vmem_shared>>) offsets(%dma_start3A_128 : memref<128xi32, #tpu.memory_space<vmem>>) semaphore(%arg10 : memref<!tpu.dma_semaphore, #tpu.memory_space<semaphore_mem>>) {add = true}
    %dma_start3A_131 = arith.constant 13 : i32
    %dma_start3A_132 = arith.constant 13 : i32
    %dma_start3A_133 = arith.constant 0 : i32
    %dma_start3A_134 = tpu.memref_slice %arg8[%dma_start3A_131, %dma_start3A_133] : memref<25x128xf32, #tpu.memory_space<vmem>> -> memref<1x128xf32, #tpu.memory_space<vmem>>
    %dma_start3A_135 = tpu.memref_squeeze %dma_start3A_134 : memref<1x128xf32, #tpu.memory_space<vmem>> -> memref<128xf32, #tpu.memory_space<vmem>>
    %dma_start3A_136 = arith.constant 0 : i32
    %dma_start3A_137 = tpu.memref_slice %arg7[%dma_start3A_132, %dma_start3A_136] : memref<25x128xi32, #tpu.memory_space<vmem>> -> memref<1x128xi32, #tpu.memory_space<vmem>>
    %dma_start3A_138 = tpu.memref_squeeze %dma_start3A_137 : memref<1x128xi32, #tpu.memory_space<vmem>> -> memref<128xi32, #tpu.memory_space<vmem>>
    %dma_start3A_139 = arith.constant 0 : i32
    %dma_start3A_140 = tpu.memref_slice %arg9[%dma_start3A_139] : memref<100000xf32, #tpu.memory_space<vmem_shared>> -> memref<100000xf32, #tpu.memory_space<vmem_shared>>
    tpu.enqueue_indirect_dma source(%dma_start3A_135 : memref<128xf32, #tpu.memory_space<vmem>>) target(%dma_start3A_140 : memref<100000xf32, #tpu.memory_space<vmem_shared>>) offsets(%dma_start3A_138 : memref<128xi32, #tpu.memory_space<vmem>>) semaphore(%arg10 : memref<!tpu.dma_semaphore, #tpu.memory_space<semaphore_mem>>) {add = true}
    %dma_start3A_141 = arith.constant 14 : i32
    %dma_start3A_142 = arith.constant 14 : i32
    %dma_start3A_143 = arith.constant 0 : i32
    %dma_start3A_144 = tpu.memref_slice %arg8[%dma_start3A_141, %dma_start3A_143] : memref<25x128xf32, #tpu.memory_space<vmem>> -> memref<1x128xf32, #tpu.memory_space<vmem>>
    %dma_start3A_145 = tpu.memref_squeeze %dma_start3A_144 : memref<1x128xf32, #tpu.memory_space<vmem>> -> memref<128xf32, #tpu.memory_space<vmem>>
    %dma_start3A_146 = arith.constant 0 : i32
    %dma_start3A_147 = tpu.memref_slice %arg7[%dma_start3A_142, %dma_start3A_146] : memref<25x128xi32, #tpu.memory_space<vmem>> -> memref<1x128xi32, #tpu.memory_space<vmem>>
    %dma_start3A_148 = tpu.memref_squeeze %dma_start3A_147 : memref<1x128xi32, #tpu.memory_space<vmem>> -> memref<128xi32, #tpu.memory_space<vmem>>
    %dma_start3A_149 = arith.constant 0 : i32
    %dma_start3A_150 = tpu.memref_slice %arg9[%dma_start3A_149] : memref<100000xf32, #tpu.memory_space<vmem_shared>> -> memref<100000xf32, #tpu.memory_space<vmem_shared>>
    tpu.enqueue_indirect_dma source(%dma_start3A_145 : memref<128xf32, #tpu.memory_space<vmem>>) target(%dma_start3A_150 : memref<100000xf32, #tpu.memory_space<vmem_shared>>) offsets(%dma_start3A_148 : memref<128xi32, #tpu.memory_space<vmem>>) semaphore(%arg10 : memref<!tpu.dma_semaphore, #tpu.memory_space<semaphore_mem>>) {add = true}
    %dma_start3A_151 = arith.constant 15 : i32
    %dma_start3A_152 = arith.constant 15 : i32
    %dma_start3A_153 = arith.constant 0 : i32
    %dma_start3A_154 = tpu.memref_slice %arg8[%dma_start3A_151, %dma_start3A_153] : memref<25x128xf32, #tpu.memory_space<vmem>> -> memref<1x128xf32, #tpu.memory_space<vmem>>
    %dma_start3A_155 = tpu.memref_squeeze %dma_start3A_154 : memref<1x128xf32, #tpu.memory_space<vmem>> -> memref<128xf32, #tpu.memory_space<vmem>>
    %dma_start3A_156 = arith.constant 0 : i32
    %dma_start3A_157 = tpu.memref_slice %arg7[%dma_start3A_152, %dma_start3A_156] : memref<25x128xi32, #tpu.memory_space<vmem>> -> memref<1x128xi32, #tpu.memory_space<vmem>>
    %dma_start3A_158 = tpu.memref_squeeze %dma_start3A_157 : memref<1x128xi32, #tpu.memory_space<vmem>> -> memref<128xi32, #tpu.memory_space<vmem>>
    %dma_start3A_159 = arith.constant 0 : i32
    %dma_start3A_160 = tpu.memref_slice %arg9[%dma_start3A_159] : memref<100000xf32, #tpu.memory_space<vmem_shared>> -> memref<100000xf32, #tpu.memory_space<vmem_shared>>
    tpu.enqueue_indirect_dma source(%dma_start3A_155 : memref<128xf32, #tpu.memory_space<vmem>>) target(%dma_start3A_160 : memref<100000xf32, #tpu.memory_space<vmem_shared>>) offsets(%dma_start3A_158 : memref<128xi32, #tpu.memory_space<vmem>>) semaphore(%arg10 : memref<!tpu.dma_semaphore, #tpu.memory_space<semaphore_mem>>) {add = true}
    %dma_start3A_161 = arith.constant 16 : i32
    %dma_start3A_162 = arith.constant 16 : i32
    %dma_start3A_163 = arith.constant 0 : i32
    %dma_start3A_164 = tpu.memref_slice %arg8[%dma_start3A_161, %dma_start3A_163] : memref<25x128xf32, #tpu.memory_space<vmem>> -> memref<1x128xf32, #tpu.memory_space<vmem>>
    %dma_start3A_165 = tpu.memref_squeeze %dma_start3A_164 : memref<1x128xf32, #tpu.memory_space<vmem>> -> memref<128xf32, #tpu.memory_space<vmem>>
    %dma_start3A_166 = arith.constant 0 : i32
    %dma_start3A_167 = tpu.memref_slice %arg7[%dma_start3A_162, %dma_start3A_166] : memref<25x128xi32, #tpu.memory_space<vmem>> -> memref<1x128xi32, #tpu.memory_space<vmem>>
    %dma_start3A_168 = tpu.memref_squeeze %dma_start3A_167 : memref<1x128xi32, #tpu.memory_space<vmem>> -> memref<128xi32, #tpu.memory_space<vmem>>
    %dma_start3A_169 = arith.constant 0 : i32
    %dma_start3A_170 = tpu.memref_slice %arg9[%dma_start3A_169] : memref<100000xf32, #tpu.memory_space<vmem_shared>> -> memref<100000xf32, #tpu.memory_space<vmem_shared>>
    tpu.enqueue_indirect_dma source(%dma_start3A_165 : memref<128xf32, #tpu.memory_space<vmem>>) target(%dma_start3A_170 : memref<100000xf32, #tpu.memory_space<vmem_shared>>) offsets(%dma_start3A_168 : memref<128xi32, #tpu.memory_space<vmem>>) semaphore(%arg10 : memref<!tpu.dma_semaphore, #tpu.memory_space<semaphore_mem>>) {add = true}
    %dma_start3A_171 = arith.constant 17 : i32
    %dma_start3A_172 = arith.constant 17 : i32
    %dma_start3A_173 = arith.constant 0 : i32
    %dma_start3A_174 = tpu.memref_slice %arg8[%dma_start3A_171, %dma_start3A_173] : memref<25x128xf32, #tpu.memory_space<vmem>> -> memref<1x128xf32, #tpu.memory_space<vmem>>
    %dma_start3A_175 = tpu.memref_squeeze %dma_start3A_174 : memref<1x128xf32, #tpu.memory_space<vmem>> -> memref<128xf32, #tpu.memory_space<vmem>>
    %dma_start3A_176 = arith.constant 0 : i32
    %dma_start3A_177 = tpu.memref_slice %arg7[%dma_start3A_172, %dma_start3A_176] : memref<25x128xi32, #tpu.memory_space<vmem>> -> memref<1x128xi32, #tpu.memory_space<vmem>>
    %dma_start3A_178 = tpu.memref_squeeze %dma_start3A_177 : memref<1x128xi32, #tpu.memory_space<vmem>> -> memref<128xi32, #tpu.memory_space<vmem>>
    %dma_start3A_179 = arith.constant 0 : i32
    %dma_start3A_180 = tpu.memref_slice %arg9[%dma_start3A_179] : memref<100000xf32, #tpu.memory_space<vmem_shared>> -> memref<100000xf32, #tpu.memory_space<vmem_shared>>
    tpu.enqueue_indirect_dma source(%dma_start3A_175 : memref<128xf32, #tpu.memory_space<vmem>>) target(%dma_start3A_180 : memref<100000xf32, #tpu.memory_space<vmem_shared>>) offsets(%dma_start3A_178 : memref<128xi32, #tpu.memory_space<vmem>>) semaphore(%arg10 : memref<!tpu.dma_semaphore, #tpu.memory_space<semaphore_mem>>) {add = true}
    %dma_start3A_181 = arith.constant 18 : i32
    %dma_start3A_182 = arith.constant 18 : i32
    %dma_start3A_183 = arith.constant 0 : i32
    %dma_start3A_184 = tpu.memref_slice %arg8[%dma_start3A_181, %dma_start3A_183] : memref<25x128xf32, #tpu.memory_space<vmem>> -> memref<1x128xf32, #tpu.memory_space<vmem>>
    %dma_start3A_185 = tpu.memref_squeeze %dma_start3A_184 : memref<1x128xf32, #tpu.memory_space<vmem>> -> memref<128xf32, #tpu.memory_space<vmem>>
    %dma_start3A_186 = arith.constant 0 : i32
    %dma_start3A_187 = tpu.memref_slice %arg7[%dma_start3A_182, %dma_start3A_186] : memref<25x128xi32, #tpu.memory_space<vmem>> -> memref<1x128xi32, #tpu.memory_space<vmem>>
    %dma_start3A_188 = tpu.memref_squeeze %dma_start3A_187 : memref<1x128xi32, #tpu.memory_space<vmem>> -> memref<128xi32, #tpu.memory_space<vmem>>
    %dma_start3A_189 = arith.constant 0 : i32
    %dma_start3A_190 = tpu.memref_slice %arg9[%dma_start3A_189] : memref<100000xf32, #tpu.memory_space<vmem_shared>> -> memref<100000xf32, #tpu.memory_space<vmem_shared>>
    tpu.enqueue_indirect_dma source(%dma_start3A_185 : memref<128xf32, #tpu.memory_space<vmem>>) target(%dma_start3A_190 : memref<100000xf32, #tpu.memory_space<vmem_shared>>) offsets(%dma_start3A_188 : memref<128xi32, #tpu.memory_space<vmem>>) semaphore(%arg10 : memref<!tpu.dma_semaphore, #tpu.memory_space<semaphore_mem>>) {add = true}
    %dma_start3A_191 = arith.constant 19 : i32
    %dma_start3A_192 = arith.constant 19 : i32
    %dma_start3A_193 = arith.constant 0 : i32
    %dma_start3A_194 = tpu.memref_slice %arg8[%dma_start3A_191, %dma_start3A_193] : memref<25x128xf32, #tpu.memory_space<vmem>> -> memref<1x128xf32, #tpu.memory_space<vmem>>
    %dma_start3A_195 = tpu.memref_squeeze %dma_start3A_194 : memref<1x128xf32, #tpu.memory_space<vmem>> -> memref<128xf32, #tpu.memory_space<vmem>>
    %dma_start3A_196 = arith.constant 0 : i32
    %dma_start3A_197 = tpu.memref_slice %arg7[%dma_start3A_192, %dma_start3A_196] : memref<25x128xi32, #tpu.memory_space<vmem>> -> memref<1x128xi32, #tpu.memory_space<vmem>>
    %dma_start3A_198 = tpu.memref_squeeze %dma_start3A_197 : memref<1x128xi32, #tpu.memory_space<vmem>> -> memref<128xi32, #tpu.memory_space<vmem>>
    %dma_start3A_199 = arith.constant 0 : i32
    %dma_start3A_200 = tpu.memref_slice %arg9[%dma_start3A_199] : memref<100000xf32, #tpu.memory_space<vmem_shared>> -> memref<100000xf32, #tpu.memory_space<vmem_shared>>
    tpu.enqueue_indirect_dma source(%dma_start3A_195 : memref<128xf32, #tpu.memory_space<vmem>>) target(%dma_start3A_200 : memref<100000xf32, #tpu.memory_space<vmem_shared>>) offsets(%dma_start3A_198 : memref<128xi32, #tpu.memory_space<vmem>>) semaphore(%arg10 : memref<!tpu.dma_semaphore, #tpu.memory_space<semaphore_mem>>) {add = true}
    %dma_start3A_201 = arith.constant 20 : i32
    %dma_start3A_202 = arith.constant 20 : i32
    %dma_start3A_203 = arith.constant 0 : i32
    %dma_start3A_204 = tpu.memref_slice %arg8[%dma_start3A_201, %dma_start3A_203] : memref<25x128xf32, #tpu.memory_space<vmem>> -> memref<1x128xf32, #tpu.memory_space<vmem>>
    %dma_start3A_205 = tpu.memref_squeeze %dma_start3A_204 : memref<1x128xf32, #tpu.memory_space<vmem>> -> memref<128xf32, #tpu.memory_space<vmem>>
    %dma_start3A_206 = arith.constant 0 : i32
    %dma_start3A_207 = tpu.memref_slice %arg7[%dma_start3A_202, %dma_start3A_206] : memref<25x128xi32, #tpu.memory_space<vmem>> -> memref<1x128xi32, #tpu.memory_space<vmem>>
    %dma_start3A_208 = tpu.memref_squeeze %dma_start3A_207 : memref<1x128xi32, #tpu.memory_space<vmem>> -> memref<128xi32, #tpu.memory_space<vmem>>
    %dma_start3A_209 = arith.constant 0 : i32
    %dma_start3A_210 = tpu.memref_slice %arg9[%dma_start3A_209] : memref<100000xf32, #tpu.memory_space<vmem_shared>> -> memref<100000xf32, #tpu.memory_space<vmem_shared>>
    tpu.enqueue_indirect_dma source(%dma_start3A_205 : memref<128xf32, #tpu.memory_space<vmem>>) target(%dma_start3A_210 : memref<100000xf32, #tpu.memory_space<vmem_shared>>) offsets(%dma_start3A_208 : memref<128xi32, #tpu.memory_space<vmem>>) semaphore(%arg10 : memref<!tpu.dma_semaphore, #tpu.memory_space<semaphore_mem>>) {add = true}
    %dma_start3A_211 = arith.constant 21 : i32
    %dma_start3A_212 = arith.constant 21 : i32
    %dma_start3A_213 = arith.constant 0 : i32
    %dma_start3A_214 = tpu.memref_slice %arg8[%dma_start3A_211, %dma_start3A_213] : memref<25x128xf32, #tpu.memory_space<vmem>> -> memref<1x128xf32, #tpu.memory_space<vmem>>
    %dma_start3A_215 = tpu.memref_squeeze %dma_start3A_214 : memref<1x128xf32, #tpu.memory_space<vmem>> -> memref<128xf32, #tpu.memory_space<vmem>>
    %dma_start3A_216 = arith.constant 0 : i32
    %dma_start3A_217 = tpu.memref_slice %arg7[%dma_start3A_212, %dma_start3A_216] : memref<25x128xi32, #tpu.memory_space<vmem>> -> memref<1x128xi32, #tpu.memory_space<vmem>>
    %dma_start3A_218 = tpu.memref_squeeze %dma_start3A_217 : memref<1x128xi32, #tpu.memory_space<vmem>> -> memref<128xi32, #tpu.memory_space<vmem>>
    %dma_start3A_219 = arith.constant 0 : i32
    %dma_start3A_220 = tpu.memref_slice %arg9[%dma_start3A_219] : memref<100000xf32, #tpu.memory_space<vmem_shared>> -> memref<100000xf32, #tpu.memory_space<vmem_shared>>
    tpu.enqueue_indirect_dma source(%dma_start3A_215 : memref<128xf32, #tpu.memory_space<vmem>>) target(%dma_start3A_220 : memref<100000xf32, #tpu.memory_space<vmem_shared>>) offsets(%dma_start3A_218 : memref<128xi32, #tpu.memory_space<vmem>>) semaphore(%arg10 : memref<!tpu.dma_semaphore, #tpu.memory_space<semaphore_mem>>) {add = true}
    %dma_start3A_221 = arith.constant 22 : i32
    %dma_start3A_222 = arith.constant 22 : i32
    %dma_start3A_223 = arith.constant 0 : i32
    %dma_start3A_224 = tpu.memref_slice %arg8[%dma_start3A_221, %dma_start3A_223] : memref<25x128xf32, #tpu.memory_space<vmem>> -> memref<1x128xf32, #tpu.memory_space<vmem>>
    %dma_start3A_225 = tpu.memref_squeeze %dma_start3A_224 : memref<1x128xf32, #tpu.memory_space<vmem>> -> memref<128xf32, #tpu.memory_space<vmem>>
    %dma_start3A_226 = arith.constant 0 : i32
    %dma_start3A_227 = tpu.memref_slice %arg7[%dma_start3A_222, %dma_start3A_226] : memref<25x128xi32, #tpu.memory_space<vmem>> -> memref<1x128xi32, #tpu.memory_space<vmem>>
    %dma_start3A_228 = tpu.memref_squeeze %dma_start3A_227 : memref<1x128xi32, #tpu.memory_space<vmem>> -> memref<128xi32, #tpu.memory_space<vmem>>
    %dma_start3A_229 = arith.constant 0 : i32
    %dma_start3A_230 = tpu.memref_slice %arg9[%dma_start3A_229] : memref<100000xf32, #tpu.memory_space<vmem_shared>> -> memref<100000xf32, #tpu.memory_space<vmem_shared>>
    tpu.enqueue_indirect_dma source(%dma_start3A_225 : memref<128xf32, #tpu.memory_space<vmem>>) target(%dma_start3A_230 : memref<100000xf32, #tpu.memory_space<vmem_shared>>) offsets(%dma_start3A_228 : memref<128xi32, #tpu.memory_space<vmem>>) semaphore(%arg10 : memref<!tpu.dma_semaphore, #tpu.memory_space<semaphore_mem>>) {add = true}
    %dma_start3A_231 = arith.constant 23 : i32
    %dma_start3A_232 = arith.constant 23 : i32
    %dma_start3A_233 = arith.constant 0 : i32
    %dma_start3A_234 = tpu.memref_slice %arg8[%dma_start3A_231, %dma_start3A_233] : memref<25x128xf32, #tpu.memory_space<vmem>> -> memref<1x128xf32, #tpu.memory_space<vmem>>
    %dma_start3A_235 = tpu.memref_squeeze %dma_start3A_234 : memref<1x128xf32, #tpu.memory_space<vmem>> -> memref<128xf32, #tpu.memory_space<vmem>>
    %dma_start3A_236 = arith.constant 0 : i32
    %dma_start3A_237 = tpu.memref_slice %arg7[%dma_start3A_232, %dma_start3A_236] : memref<25x128xi32, #tpu.memory_space<vmem>> -> memref<1x128xi32, #tpu.memory_space<vmem>>
    %dma_start3A_238 = tpu.memref_squeeze %dma_start3A_237 : memref<1x128xi32, #tpu.memory_space<vmem>> -> memref<128xi32, #tpu.memory_space<vmem>>
    %dma_start3A_239 = arith.constant 0 : i32
    %dma_start3A_240 = tpu.memref_slice %arg9[%dma_start3A_239] : memref<100000xf32, #tpu.memory_space<vmem_shared>> -> memref<100000xf32, #tpu.memory_space<vmem_shared>>
    tpu.enqueue_indirect_dma source(%dma_start3A_235 : memref<128xf32, #tpu.memory_space<vmem>>) target(%dma_start3A_240 : memref<100000xf32, #tpu.memory_space<vmem_shared>>) offsets(%dma_start3A_238 : memref<128xi32, #tpu.memory_space<vmem>>) semaphore(%arg10 : memref<!tpu.dma_semaphore, #tpu.memory_space<semaphore_mem>>) {add = true}
    %dma_start3A_241 = arith.constant 24 : i32
    %dma_start3A_242 = arith.constant 24 : i32
    %dma_start3A_243 = arith.constant 0 : i32
    %dma_start3A_244 = tpu.memref_slice %arg8[%dma_start3A_241, %dma_start3A_243] : memref<25x128xf32, #tpu.memory_space<vmem>> -> memref<1x128xf32, #tpu.memory_space<vmem>>
    %dma_start3A_245 = tpu.memref_squeeze %dma_start3A_244 : memref<1x128xf32, #tpu.memory_space<vmem>> -> memref<128xf32, #tpu.memory_space<vmem>>
    %dma_start3A_246 = arith.constant 0 : i32
    %dma_start3A_247 = tpu.memref_slice %arg7[%dma_start3A_242, %dma_start3A_246] : memref<25x128xi32, #tpu.memory_space<vmem>> -> memref<1x128xi32, #tpu.memory_space<vmem>>
    %dma_start3A_248 = tpu.memref_squeeze %dma_start3A_247 : memref<1x128xi32, #tpu.memory_space<vmem>> -> memref<128xi32, #tpu.memory_space<vmem>>
    %dma_start3A_249 = arith.constant 0 : i32
    %dma_start3A_250 = tpu.memref_slice %arg9[%dma_start3A_249] : memref<100000xf32, #tpu.memory_space<vmem_shared>> -> memref<100000xf32, #tpu.memory_space<vmem_shared>>
    tpu.enqueue_indirect_dma source(%dma_start3A_245 : memref<128xf32, #tpu.memory_space<vmem>>) target(%dma_start3A_250 : memref<100000xf32, #tpu.memory_space<vmem_shared>>) offsets(%dma_start3A_248 : memref<128xi32, #tpu.memory_space<vmem>>) semaphore(%arg10 : memref<!tpu.dma_semaphore, #tpu.memory_space<semaphore_mem>>) {add = true}
    %dma_wait3A = arith.constant 0 : i32
    %dma_wait3A_251 = arith.constant 0 : i32
    %dma_wait3A_252 = arith.constant 0 : i32
    %dma_wait3A_253 = tpu.memref_slice %arg8[%dma_wait3A, %dma_wait3A_252] : memref<25x128xf32, #tpu.memory_space<vmem>> -> memref<1x128xf32, #tpu.memory_space<vmem>>
    %dma_wait3A_254 = tpu.memref_squeeze %dma_wait3A_253 : memref<1x128xf32, #tpu.memory_space<vmem>> -> memref<128xf32, #tpu.memory_space<vmem>>
    %dma_wait3A_255 = arith.constant 0 : i32
    %dma_wait3A_256 = tpu.memref_slice %arg7[%dma_wait3A_251, %dma_wait3A_255] : memref<25x128xi32, #tpu.memory_space<vmem>> -> memref<1x128xi32, #tpu.memory_space<vmem>>
    %dma_wait3A_257 = tpu.memref_squeeze %dma_wait3A_256 : memref<1x128xi32, #tpu.memory_space<vmem>> -> memref<128xi32, #tpu.memory_space<vmem>>
    %dma_wait3A_258 = arith.constant 0 : i32
    %dma_wait3A_259 = tpu.memref_slice %arg9[%dma_wait3A_258] : memref<100000xf32, #tpu.memory_space<vmem_shared>> -> memref<100000xf32, #tpu.memory_space<vmem_shared>>
    tpu.wait_indirect_dma semaphore(%arg10 : memref<!tpu.dma_semaphore, #tpu.memory_space<semaphore_mem>>) src(%dma_wait3A_254 : memref<128xf32, #tpu.memory_space<vmem>>) dst(%dma_wait3A_259 : memref<100000xf32, #tpu.memory_space<vmem_shared>>)
    %dma_wait3A_260 = arith.constant 1 : i32
    %dma_wait3A_261 = arith.constant 1 : i32
    %dma_wait3A_262 = arith.constant 0 : i32
    %dma_wait3A_263 = tpu.memref_slice %arg8[%dma_wait3A_260, %dma_wait3A_262] : memref<25x128xf32, #tpu.memory_space<vmem>> -> memref<1x128xf32, #tpu.memory_space<vmem>>
    %dma_wait3A_264 = tpu.memref_squeeze %dma_wait3A_263 : memref<1x128xf32, #tpu.memory_space<vmem>> -> memref<128xf32, #tpu.memory_space<vmem>>
    %dma_wait3A_265 = arith.constant 0 : i32
    %dma_wait3A_266 = tpu.memref_slice %arg7[%dma_wait3A_261, %dma_wait3A_265] : memref<25x128xi32, #tpu.memory_space<vmem>> -> memref<1x128xi32, #tpu.memory_space<vmem>>
    %dma_wait3A_267 = tpu.memref_squeeze %dma_wait3A_266 : memref<1x128xi32, #tpu.memory_space<vmem>> -> memref<128xi32, #tpu.memory_space<vmem>>
    %dma_wait3A_268 = arith.constant 0 : i32
    %dma_wait3A_269 = tpu.memref_slice %arg9[%dma_wait3A_268] : memref<100000xf32, #tpu.memory_space<vmem_shared>> -> memref<100000xf32, #tpu.memory_space<vmem_shared>>
    tpu.wait_indirect_dma semaphore(%arg10 : memref<!tpu.dma_semaphore, #tpu.memory_space<semaphore_mem>>) src(%dma_wait3A_264 : memref<128xf32, #tpu.memory_space<vmem>>) dst(%dma_wait3A_269 : memref<100000xf32, #tpu.memory_space<vmem_shared>>)
    %dma_wait3A_270 = arith.constant 2 : i32
    %dma_wait3A_271 = arith.constant 2 : i32
    %dma_wait3A_272 = arith.constant 0 : i32
    %dma_wait3A_273 = tpu.memref_slice %arg8[%dma_wait3A_270, %dma_wait3A_272] : memref<25x128xf32, #tpu.memory_space<vmem>> -> memref<1x128xf32, #tpu.memory_space<vmem>>
    %dma_wait3A_274 = tpu.memref_squeeze %dma_wait3A_273 : memref<1x128xf32, #tpu.memory_space<vmem>> -> memref<128xf32, #tpu.memory_space<vmem>>
    %dma_wait3A_275 = arith.constant 0 : i32
    %dma_wait3A_276 = tpu.memref_slice %arg7[%dma_wait3A_271, %dma_wait3A_275] : memref<25x128xi32, #tpu.memory_space<vmem>> -> memref<1x128xi32, #tpu.memory_space<vmem>>
    %dma_wait3A_277 = tpu.memref_squeeze %dma_wait3A_276 : memref<1x128xi32, #tpu.memory_space<vmem>> -> memref<128xi32, #tpu.memory_space<vmem>>
    %dma_wait3A_278 = arith.constant 0 : i32
    %dma_wait3A_279 = tpu.memref_slice %arg9[%dma_wait3A_278] : memref<100000xf32, #tpu.memory_space<vmem_shared>> -> memref<100000xf32, #tpu.memory_space<vmem_shared>>
    tpu.wait_indirect_dma semaphore(%arg10 : memref<!tpu.dma_semaphore, #tpu.memory_space<semaphore_mem>>) src(%dma_wait3A_274 : memref<128xf32, #tpu.memory_space<vmem>>) dst(%dma_wait3A_279 : memref<100000xf32, #tpu.memory_space<vmem_shared>>)
    %dma_wait3A_280 = arith.constant 3 : i32
    %dma_wait3A_281 = arith.constant 3 : i32
    %dma_wait3A_282 = arith.constant 0 : i32
    %dma_wait3A_283 = tpu.memref_slice %arg8[%dma_wait3A_280, %dma_wait3A_282] : memref<25x128xf32, #tpu.memory_space<vmem>> -> memref<1x128xf32, #tpu.memory_space<vmem>>
    %dma_wait3A_284 = tpu.memref_squeeze %dma_wait3A_283 : memref<1x128xf32, #tpu.memory_space<vmem>> -> memref<128xf32, #tpu.memory_space<vmem>>
    %dma_wait3A_285 = arith.constant 0 : i32
    %dma_wait3A_286 = tpu.memref_slice %arg7[%dma_wait3A_281, %dma_wait3A_285] : memref<25x128xi32, #tpu.memory_space<vmem>> -> memref<1x128xi32, #tpu.memory_space<vmem>>
    %dma_wait3A_287 = tpu.memref_squeeze %dma_wait3A_286 : memref<1x128xi32, #tpu.memory_space<vmem>> -> memref<128xi32, #tpu.memory_space<vmem>>
    %dma_wait3A_288 = arith.constant 0 : i32
    %dma_wait3A_289 = tpu.memref_slice %arg9[%dma_wait3A_288] : memref<100000xf32, #tpu.memory_space<vmem_shared>> -> memref<100000xf32, #tpu.memory_space<vmem_shared>>
    tpu.wait_indirect_dma semaphore(%arg10 : memref<!tpu.dma_semaphore, #tpu.memory_space<semaphore_mem>>) src(%dma_wait3A_284 : memref<128xf32, #tpu.memory_space<vmem>>) dst(%dma_wait3A_289 : memref<100000xf32, #tpu.memory_space<vmem_shared>>)
    %dma_wait3A_290 = arith.constant 4 : i32
    %dma_wait3A_291 = arith.constant 4 : i32
    %dma_wait3A_292 = arith.constant 0 : i32
    %dma_wait3A_293 = tpu.memref_slice %arg8[%dma_wait3A_290, %dma_wait3A_292] : memref<25x128xf32, #tpu.memory_space<vmem>> -> memref<1x128xf32, #tpu.memory_space<vmem>>
    %dma_wait3A_294 = tpu.memref_squeeze %dma_wait3A_293 : memref<1x128xf32, #tpu.memory_space<vmem>> -> memref<128xf32, #tpu.memory_space<vmem>>
    %dma_wait3A_295 = arith.constant 0 : i32
    %dma_wait3A_296 = tpu.memref_slice %arg7[%dma_wait3A_291, %dma_wait3A_295] : memref<25x128xi32, #tpu.memory_space<vmem>> -> memref<1x128xi32, #tpu.memory_space<vmem>>
    %dma_wait3A_297 = tpu.memref_squeeze %dma_wait3A_296 : memref<1x128xi32, #tpu.memory_space<vmem>> -> memref<128xi32, #tpu.memory_space<vmem>>
    %dma_wait3A_298 = arith.constant 0 : i32
    %dma_wait3A_299 = tpu.memref_slice %arg9[%dma_wait3A_298] : memref<100000xf32, #tpu.memory_space<vmem_shared>> -> memref<100000xf32, #tpu.memory_space<vmem_shared>>
    tpu.wait_indirect_dma semaphore(%arg10 : memref<!tpu.dma_semaphore, #tpu.memory_space<semaphore_mem>>) src(%dma_wait3A_294 : memref<128xf32, #tpu.memory_space<vmem>>) dst(%dma_wait3A_299 : memref<100000xf32, #tpu.memory_space<vmem_shared>>)
    %dma_wait3A_300 = arith.constant 5 : i32
    %dma_wait3A_301 = arith.constant 5 : i32
    %dma_wait3A_302 = arith.constant 0 : i32
    %dma_wait3A_303 = tpu.memref_slice %arg8[%dma_wait3A_300, %dma_wait3A_302] : memref<25x128xf32, #tpu.memory_space<vmem>> -> memref<1x128xf32, #tpu.memory_space<vmem>>
    %dma_wait3A_304 = tpu.memref_squeeze %dma_wait3A_303 : memref<1x128xf32, #tpu.memory_space<vmem>> -> memref<128xf32, #tpu.memory_space<vmem>>
    %dma_wait3A_305 = arith.constant 0 : i32
    %dma_wait3A_306 = tpu.memref_slice %arg7[%dma_wait3A_301, %dma_wait3A_305] : memref<25x128xi32, #tpu.memory_space<vmem>> -> memref<1x128xi32, #tpu.memory_space<vmem>>
    %dma_wait3A_307 = tpu.memref_squeeze %dma_wait3A_306 : memref<1x128xi32, #tpu.memory_space<vmem>> -> memref<128xi32, #tpu.memory_space<vmem>>
    %dma_wait3A_308 = arith.constant 0 : i32
    %dma_wait3A_309 = tpu.memref_slice %arg9[%dma_wait3A_308] : memref<100000xf32, #tpu.memory_space<vmem_shared>> -> memref<100000xf32, #tpu.memory_space<vmem_shared>>
    tpu.wait_indirect_dma semaphore(%arg10 : memref<!tpu.dma_semaphore, #tpu.memory_space<semaphore_mem>>) src(%dma_wait3A_304 : memref<128xf32, #tpu.memory_space<vmem>>) dst(%dma_wait3A_309 : memref<100000xf32, #tpu.memory_space<vmem_shared>>)
    %dma_wait3A_310 = arith.constant 6 : i32
    %dma_wait3A_311 = arith.constant 6 : i32
    %dma_wait3A_312 = arith.constant 0 : i32
    %dma_wait3A_313 = tpu.memref_slice %arg8[%dma_wait3A_310, %dma_wait3A_312] : memref<25x128xf32, #tpu.memory_space<vmem>> -> memref<1x128xf32, #tpu.memory_space<vmem>>
    %dma_wait3A_314 = tpu.memref_squeeze %dma_wait3A_313 : memref<1x128xf32, #tpu.memory_space<vmem>> -> memref<128xf32, #tpu.memory_space<vmem>>
    %dma_wait3A_315 = arith.constant 0 : i32
    %dma_wait3A_316 = tpu.memref_slice %arg7[%dma_wait3A_311, %dma_wait3A_315] : memref<25x128xi32, #tpu.memory_space<vmem>> -> memref<1x128xi32, #tpu.memory_space<vmem>>
    %dma_wait3A_317 = tpu.memref_squeeze %dma_wait3A_316 : memref<1x128xi32, #tpu.memory_space<vmem>> -> memref<128xi32, #tpu.memory_space<vmem>>
    %dma_wait3A_318 = arith.constant 0 : i32
    %dma_wait3A_319 = tpu.memref_slice %arg9[%dma_wait3A_318] : memref<100000xf32, #tpu.memory_space<vmem_shared>> -> memref<100000xf32, #tpu.memory_space<vmem_shared>>
    tpu.wait_indirect_dma semaphore(%arg10 : memref<!tpu.dma_semaphore, #tpu.memory_space<semaphore_mem>>) src(%dma_wait3A_314 : memref<128xf32, #tpu.memory_space<vmem>>) dst(%dma_wait3A_319 : memref<100000xf32, #tpu.memory_space<vmem_shared>>)
    %dma_wait3A_320 = arith.constant 7 : i32
    %dma_wait3A_321 = arith.constant 7 : i32
    %dma_wait3A_322 = arith.constant 0 : i32
    %dma_wait3A_323 = tpu.memref_slice %arg8[%dma_wait3A_320, %dma_wait3A_322] : memref<25x128xf32, #tpu.memory_space<vmem>> -> memref<1x128xf32, #tpu.memory_space<vmem>>
    %dma_wait3A_324 = tpu.memref_squeeze %dma_wait3A_323 : memref<1x128xf32, #tpu.memory_space<vmem>> -> memref<128xf32, #tpu.memory_space<vmem>>
    %dma_wait3A_325 = arith.constant 0 : i32
    %dma_wait3A_326 = tpu.memref_slice %arg7[%dma_wait3A_321, %dma_wait3A_325] : memref<25x128xi32, #tpu.memory_space<vmem>> -> memref<1x128xi32, #tpu.memory_space<vmem>>
    %dma_wait3A_327 = tpu.memref_squeeze %dma_wait3A_326 : memref<1x128xi32, #tpu.memory_space<vmem>> -> memref<128xi32, #tpu.memory_space<vmem>>
    %dma_wait3A_328 = arith.constant 0 : i32
    %dma_wait3A_329 = tpu.memref_slice %arg9[%dma_wait3A_328] : memref<100000xf32, #tpu.memory_space<vmem_shared>> -> memref<100000xf32, #tpu.memory_space<vmem_shared>>
    tpu.wait_indirect_dma semaphore(%arg10 : memref<!tpu.dma_semaphore, #tpu.memory_space<semaphore_mem>>) src(%dma_wait3A_324 : memref<128xf32, #tpu.memory_space<vmem>>) dst(%dma_wait3A_329 : memref<100000xf32, #tpu.memory_space<vmem_shared>>)
    %dma_wait3A_330 = arith.constant 8 : i32
    %dma_wait3A_331 = arith.constant 8 : i32
    %dma_wait3A_332 = arith.constant 0 : i32
    %dma_wait3A_333 = tpu.memref_slice %arg8[%dma_wait3A_330, %dma_wait3A_332] : memref<25x128xf32, #tpu.memory_space<vmem>> -> memref<1x128xf32, #tpu.memory_space<vmem>>
    %dma_wait3A_334 = tpu.memref_squeeze %dma_wait3A_333 : memref<1x128xf32, #tpu.memory_space<vmem>> -> memref<128xf32, #tpu.memory_space<vmem>>
    %dma_wait3A_335 = arith.constant 0 : i32
    %dma_wait3A_336 = tpu.memref_slice %arg7[%dma_wait3A_331, %dma_wait3A_335] : memref<25x128xi32, #tpu.memory_space<vmem>> -> memref<1x128xi32, #tpu.memory_space<vmem>>
    %dma_wait3A_337 = tpu.memref_squeeze %dma_wait3A_336 : memref<1x128xi32, #tpu.memory_space<vmem>> -> memref<128xi32, #tpu.memory_space<vmem>>
    %dma_wait3A_338 = arith.constant 0 : i32
    %dma_wait3A_339 = tpu.memref_slice %arg9[%dma_wait3A_338] : memref<100000xf32, #tpu.memory_space<vmem_shared>> -> memref<100000xf32, #tpu.memory_space<vmem_shared>>
    tpu.wait_indirect_dma semaphore(%arg10 : memref<!tpu.dma_semaphore, #tpu.memory_space<semaphore_mem>>) src(%dma_wait3A_334 : memref<128xf32, #tpu.memory_space<vmem>>) dst(%dma_wait3A_339 : memref<100000xf32, #tpu.memory_space<vmem_shared>>)
    %dma_wait3A_340 = arith.constant 9 : i32
    %dma_wait3A_341 = arith.constant 9 : i32
    %dma_wait3A_342 = arith.constant 0 : i32
    %dma_wait3A_343 = tpu.memref_slice %arg8[%dma_wait3A_340, %dma_wait3A_342] : memref<25x128xf32, #tpu.memory_space<vmem>> -> memref<1x128xf32, #tpu.memory_space<vmem>>
    %dma_wait3A_344 = tpu.memref_squeeze %dma_wait3A_343 : memref<1x128xf32, #tpu.memory_space<vmem>> -> memref<128xf32, #tpu.memory_space<vmem>>
    %dma_wait3A_345 = arith.constant 0 : i32
    %dma_wait3A_346 = tpu.memref_slice %arg7[%dma_wait3A_341, %dma_wait3A_345] : memref<25x128xi32, #tpu.memory_space<vmem>> -> memref<1x128xi32, #tpu.memory_space<vmem>>
    %dma_wait3A_347 = tpu.memref_squeeze %dma_wait3A_346 : memref<1x128xi32, #tpu.memory_space<vmem>> -> memref<128xi32, #tpu.memory_space<vmem>>
    %dma_wait3A_348 = arith.constant 0 : i32
    %dma_wait3A_349 = tpu.memref_slice %arg9[%dma_wait3A_348] : memref<100000xf32, #tpu.memory_space<vmem_shared>> -> memref<100000xf32, #tpu.memory_space<vmem_shared>>
    tpu.wait_indirect_dma semaphore(%arg10 : memref<!tpu.dma_semaphore, #tpu.memory_space<semaphore_mem>>) src(%dma_wait3A_344 : memref<128xf32, #tpu.memory_space<vmem>>) dst(%dma_wait3A_349 : memref<100000xf32, #tpu.memory_space<vmem_shared>>)
    %dma_wait3A_350 = arith.constant 10 : i32
    %dma_wait3A_351 = arith.constant 10 : i32
    %dma_wait3A_352 = arith.constant 0 : i32
    %dma_wait3A_353 = tpu.memref_slice %arg8[%dma_wait3A_350, %dma_wait3A_352] : memref<25x128xf32, #tpu.memory_space<vmem>> -> memref<1x128xf32, #tpu.memory_space<vmem>>
    %dma_wait3A_354 = tpu.memref_squeeze %dma_wait3A_353 : memref<1x128xf32, #tpu.memory_space<vmem>> -> memref<128xf32, #tpu.memory_space<vmem>>
    %dma_wait3A_355 = arith.constant 0 : i32
    %dma_wait3A_356 = tpu.memref_slice %arg7[%dma_wait3A_351, %dma_wait3A_355] : memref<25x128xi32, #tpu.memory_space<vmem>> -> memref<1x128xi32, #tpu.memory_space<vmem>>
    %dma_wait3A_357 = tpu.memref_squeeze %dma_wait3A_356 : memref<1x128xi32, #tpu.memory_space<vmem>> -> memref<128xi32, #tpu.memory_space<vmem>>
    %dma_wait3A_358 = arith.constant 0 : i32
    %dma_wait3A_359 = tpu.memref_slice %arg9[%dma_wait3A_358] : memref<100000xf32, #tpu.memory_space<vmem_shared>> -> memref<100000xf32, #tpu.memory_space<vmem_shared>>
    tpu.wait_indirect_dma semaphore(%arg10 : memref<!tpu.dma_semaphore, #tpu.memory_space<semaphore_mem>>) src(%dma_wait3A_354 : memref<128xf32, #tpu.memory_space<vmem>>) dst(%dma_wait3A_359 : memref<100000xf32, #tpu.memory_space<vmem_shared>>)
    %dma_wait3A_360 = arith.constant 11 : i32
    %dma_wait3A_361 = arith.constant 11 : i32
    %dma_wait3A_362 = arith.constant 0 : i32
    %dma_wait3A_363 = tpu.memref_slice %arg8[%dma_wait3A_360, %dma_wait3A_362] : memref<25x128xf32, #tpu.memory_space<vmem>> -> memref<1x128xf32, #tpu.memory_space<vmem>>
    %dma_wait3A_364 = tpu.memref_squeeze %dma_wait3A_363 : memref<1x128xf32, #tpu.memory_space<vmem>> -> memref<128xf32, #tpu.memory_space<vmem>>
    %dma_wait3A_365 = arith.constant 0 : i32
    %dma_wait3A_366 = tpu.memref_slice %arg7[%dma_wait3A_361, %dma_wait3A_365] : memref<25x128xi32, #tpu.memory_space<vmem>> -> memref<1x128xi32, #tpu.memory_space<vmem>>
    %dma_wait3A_367 = tpu.memref_squeeze %dma_wait3A_366 : memref<1x128xi32, #tpu.memory_space<vmem>> -> memref<128xi32, #tpu.memory_space<vmem>>
    %dma_wait3A_368 = arith.constant 0 : i32
    %dma_wait3A_369 = tpu.memref_slice %arg9[%dma_wait3A_368] : memref<100000xf32, #tpu.memory_space<vmem_shared>> -> memref<100000xf32, #tpu.memory_space<vmem_shared>>
    tpu.wait_indirect_dma semaphore(%arg10 : memref<!tpu.dma_semaphore, #tpu.memory_space<semaphore_mem>>) src(%dma_wait3A_364 : memref<128xf32, #tpu.memory_space<vmem>>) dst(%dma_wait3A_369 : memref<100000xf32, #tpu.memory_space<vmem_shared>>)
    %dma_wait3A_370 = arith.constant 12 : i32
    %dma_wait3A_371 = arith.constant 12 : i32
    %dma_wait3A_372 = arith.constant 0 : i32
    %dma_wait3A_373 = tpu.memref_slice %arg8[%dma_wait3A_370, %dma_wait3A_372] : memref<25x128xf32, #tpu.memory_space<vmem>> -> memref<1x128xf32, #tpu.memory_space<vmem>>
    %dma_wait3A_374 = tpu.memref_squeeze %dma_wait3A_373 : memref<1x128xf32, #tpu.memory_space<vmem>> -> memref<128xf32, #tpu.memory_space<vmem>>
    %dma_wait3A_375 = arith.constant 0 : i32
    %dma_wait3A_376 = tpu.memref_slice %arg7[%dma_wait3A_371, %dma_wait3A_375] : memref<25x128xi32, #tpu.memory_space<vmem>> -> memref<1x128xi32, #tpu.memory_space<vmem>>
    %dma_wait3A_377 = tpu.memref_squeeze %dma_wait3A_376 : memref<1x128xi32, #tpu.memory_space<vmem>> -> memref<128xi32, #tpu.memory_space<vmem>>
    %dma_wait3A_378 = arith.constant 0 : i32
    %dma_wait3A_379 = tpu.memref_slice %arg9[%dma_wait3A_378] : memref<100000xf32, #tpu.memory_space<vmem_shared>> -> memref<100000xf32, #tpu.memory_space<vmem_shared>>
    tpu.wait_indirect_dma semaphore(%arg10 : memref<!tpu.dma_semaphore, #tpu.memory_space<semaphore_mem>>) src(%dma_wait3A_374 : memref<128xf32, #tpu.memory_space<vmem>>) dst(%dma_wait3A_379 : memref<100000xf32, #tpu.memory_space<vmem_shared>>)
    %dma_wait3A_380 = arith.constant 13 : i32
    %dma_wait3A_381 = arith.constant 13 : i32
    %dma_wait3A_382 = arith.constant 0 : i32
    %dma_wait3A_383 = tpu.memref_slice %arg8[%dma_wait3A_380, %dma_wait3A_382] : memref<25x128xf32, #tpu.memory_space<vmem>> -> memref<1x128xf32, #tpu.memory_space<vmem>>
    %dma_wait3A_384 = tpu.memref_squeeze %dma_wait3A_383 : memref<1x128xf32, #tpu.memory_space<vmem>> -> memref<128xf32, #tpu.memory_space<vmem>>
    %dma_wait3A_385 = arith.constant 0 : i32
    %dma_wait3A_386 = tpu.memref_slice %arg7[%dma_wait3A_381, %dma_wait3A_385] : memref<25x128xi32, #tpu.memory_space<vmem>> -> memref<1x128xi32, #tpu.memory_space<vmem>>
    %dma_wait3A_387 = tpu.memref_squeeze %dma_wait3A_386 : memref<1x128xi32, #tpu.memory_space<vmem>> -> memref<128xi32, #tpu.memory_space<vmem>>
    %dma_wait3A_388 = arith.constant 0 : i32
    %dma_wait3A_389 = tpu.memref_slice %arg9[%dma_wait3A_388] : memref<100000xf32, #tpu.memory_space<vmem_shared>> -> memref<100000xf32, #tpu.memory_space<vmem_shared>>
    tpu.wait_indirect_dma semaphore(%arg10 : memref<!tpu.dma_semaphore, #tpu.memory_space<semaphore_mem>>) src(%dma_wait3A_384 : memref<128xf32, #tpu.memory_space<vmem>>) dst(%dma_wait3A_389 : memref<100000xf32, #tpu.memory_space<vmem_shared>>)
    %dma_wait3A_390 = arith.constant 14 : i32
    %dma_wait3A_391 = arith.constant 14 : i32
    %dma_wait3A_392 = arith.constant 0 : i32
    %dma_wait3A_393 = tpu.memref_slice %arg8[%dma_wait3A_390, %dma_wait3A_392] : memref<25x128xf32, #tpu.memory_space<vmem>> -> memref<1x128xf32, #tpu.memory_space<vmem>>
    %dma_wait3A_394 = tpu.memref_squeeze %dma_wait3A_393 : memref<1x128xf32, #tpu.memory_space<vmem>> -> memref<128xf32, #tpu.memory_space<vmem>>
    %dma_wait3A_395 = arith.constant 0 : i32
    %dma_wait3A_396 = tpu.memref_slice %arg7[%dma_wait3A_391, %dma_wait3A_395] : memref<25x128xi32, #tpu.memory_space<vmem>> -> memref<1x128xi32, #tpu.memory_space<vmem>>
    %dma_wait3A_397 = tpu.memref_squeeze %dma_wait3A_396 : memref<1x128xi32, #tpu.memory_space<vmem>> -> memref<128xi32, #tpu.memory_space<vmem>>
    %dma_wait3A_398 = arith.constant 0 : i32
    %dma_wait3A_399 = tpu.memref_slice %arg9[%dma_wait3A_398] : memref<100000xf32, #tpu.memory_space<vmem_shared>> -> memref<100000xf32, #tpu.memory_space<vmem_shared>>
    tpu.wait_indirect_dma semaphore(%arg10 : memref<!tpu.dma_semaphore, #tpu.memory_space<semaphore_mem>>) src(%dma_wait3A_394 : memref<128xf32, #tpu.memory_space<vmem>>) dst(%dma_wait3A_399 : memref<100000xf32, #tpu.memory_space<vmem_shared>>)
    %dma_wait3A_400 = arith.constant 15 : i32
    %dma_wait3A_401 = arith.constant 15 : i32
    %dma_wait3A_402 = arith.constant 0 : i32
    %dma_wait3A_403 = tpu.memref_slice %arg8[%dma_wait3A_400, %dma_wait3A_402] : memref<25x128xf32, #tpu.memory_space<vmem>> -> memref<1x128xf32, #tpu.memory_space<vmem>>
    %dma_wait3A_404 = tpu.memref_squeeze %dma_wait3A_403 : memref<1x128xf32, #tpu.memory_space<vmem>> -> memref<128xf32, #tpu.memory_space<vmem>>
    %dma_wait3A_405 = arith.constant 0 : i32
    %dma_wait3A_406 = tpu.memref_slice %arg7[%dma_wait3A_401, %dma_wait3A_405] : memref<25x128xi32, #tpu.memory_space<vmem>> -> memref<1x128xi32, #tpu.memory_space<vmem>>
    %dma_wait3A_407 = tpu.memref_squeeze %dma_wait3A_406 : memref<1x128xi32, #tpu.memory_space<vmem>> -> memref<128xi32, #tpu.memory_space<vmem>>
    %dma_wait3A_408 = arith.constant 0 : i32
    %dma_wait3A_409 = tpu.memref_slice %arg9[%dma_wait3A_408] : memref<100000xf32, #tpu.memory_space<vmem_shared>> -> memref<100000xf32, #tpu.memory_space<vmem_shared>>
    tpu.wait_indirect_dma semaphore(%arg10 : memref<!tpu.dma_semaphore, #tpu.memory_space<semaphore_mem>>) src(%dma_wait3A_404 : memref<128xf32, #tpu.memory_space<vmem>>) dst(%dma_wait3A_409 : memref<100000xf32, #tpu.memory_space<vmem_shared>>)
    %dma_wait3A_410 = arith.constant 16 : i32
    %dma_wait3A_411 = arith.constant 16 : i32
    %dma_wait3A_412 = arith.constant 0 : i32
    %dma_wait3A_413 = tpu.memref_slice %arg8[%dma_wait3A_410, %dma_wait3A_412] : memref<25x128xf32, #tpu.memory_space<vmem>> -> memref<1x128xf32, #tpu.memory_space<vmem>>
    %dma_wait3A_414 = tpu.memref_squeeze %dma_wait3A_413 : memref<1x128xf32, #tpu.memory_space<vmem>> -> memref<128xf32, #tpu.memory_space<vmem>>
    %dma_wait3A_415 = arith.constant 0 : i32
    %dma_wait3A_416 = tpu.memref_slice %arg7[%dma_wait3A_411, %dma_wait3A_415] : memref<25x128xi32, #tpu.memory_space<vmem>> -> memref<1x128xi32, #tpu.memory_space<vmem>>
    %dma_wait3A_417 = tpu.memref_squeeze %dma_wait3A_416 : memref<1x128xi32, #tpu.memory_space<vmem>> -> memref<128xi32, #tpu.memory_space<vmem>>
    %dma_wait3A_418 = arith.constant 0 : i32
    %dma_wait3A_419 = tpu.memref_slice %arg9[%dma_wait3A_418] : memref<100000xf32, #tpu.memory_space<vmem_shared>> -> memref<100000xf32, #tpu.memory_space<vmem_shared>>
    tpu.wait_indirect_dma semaphore(%arg10 : memref<!tpu.dma_semaphore, #tpu.memory_space<semaphore_mem>>) src(%dma_wait3A_414 : memref<128xf32, #tpu.memory_space<vmem>>) dst(%dma_wait3A_419 : memref<100000xf32, #tpu.memory_space<vmem_shared>>)
    %dma_wait3A_420 = arith.constant 17 : i32
    %dma_wait3A_421 = arith.constant 17 : i32
    %dma_wait3A_422 = arith.constant 0 : i32
    %dma_wait3A_423 = tpu.memref_slice %arg8[%dma_wait3A_420, %dma_wait3A_422] : memref<25x128xf32, #tpu.memory_space<vmem>> -> memref<1x128xf32, #tpu.memory_space<vmem>>
    %dma_wait3A_424 = tpu.memref_squeeze %dma_wait3A_423 : memref<1x128xf32, #tpu.memory_space<vmem>> -> memref<128xf32, #tpu.memory_space<vmem>>
    %dma_wait3A_425 = arith.constant 0 : i32
    %dma_wait3A_426 = tpu.memref_slice %arg7[%dma_wait3A_421, %dma_wait3A_425] : memref<25x128xi32, #tpu.memory_space<vmem>> -> memref<1x128xi32, #tpu.memory_space<vmem>>
    %dma_wait3A_427 = tpu.memref_squeeze %dma_wait3A_426 : memref<1x128xi32, #tpu.memory_space<vmem>> -> memref<128xi32, #tpu.memory_space<vmem>>
    %dma_wait3A_428 = arith.constant 0 : i32
    %dma_wait3A_429 = tpu.memref_slice %arg9[%dma_wait3A_428] : memref<100000xf32, #tpu.memory_space<vmem_shared>> -> memref<100000xf32, #tpu.memory_space<vmem_shared>>
    tpu.wait_indirect_dma semaphore(%arg10 : memref<!tpu.dma_semaphore, #tpu.memory_space<semaphore_mem>>) src(%dma_wait3A_424 : memref<128xf32, #tpu.memory_space<vmem>>) dst(%dma_wait3A_429 : memref<100000xf32, #tpu.memory_space<vmem_shared>>)
    %dma_wait3A_430 = arith.constant 18 : i32
    %dma_wait3A_431 = arith.constant 18 : i32
    %dma_wait3A_432 = arith.constant 0 : i32
    %dma_wait3A_433 = tpu.memref_slice %arg8[%dma_wait3A_430, %dma_wait3A_432] : memref<25x128xf32, #tpu.memory_space<vmem>> -> memref<1x128xf32, #tpu.memory_space<vmem>>
    %dma_wait3A_434 = tpu.memref_squeeze %dma_wait3A_433 : memref<1x128xf32, #tpu.memory_space<vmem>> -> memref<128xf32, #tpu.memory_space<vmem>>
    %dma_wait3A_435 = arith.constant 0 : i32
    %dma_wait3A_436 = tpu.memref_slice %arg7[%dma_wait3A_431, %dma_wait3A_435] : memref<25x128xi32, #tpu.memory_space<vmem>> -> memref<1x128xi32, #tpu.memory_space<vmem>>
    %dma_wait3A_437 = tpu.memref_squeeze %dma_wait3A_436 : memref<1x128xi32, #tpu.memory_space<vmem>> -> memref<128xi32, #tpu.memory_space<vmem>>
    %dma_wait3A_438 = arith.constant 0 : i32
    %dma_wait3A_439 = tpu.memref_slice %arg9[%dma_wait3A_438] : memref<100000xf32, #tpu.memory_space<vmem_shared>> -> memref<100000xf32, #tpu.memory_space<vmem_shared>>
    tpu.wait_indirect_dma semaphore(%arg10 : memref<!tpu.dma_semaphore, #tpu.memory_space<semaphore_mem>>) src(%dma_wait3A_434 : memref<128xf32, #tpu.memory_space<vmem>>) dst(%dma_wait3A_439 : memref<100000xf32, #tpu.memory_space<vmem_shared>>)
    %dma_wait3A_440 = arith.constant 19 : i32
    %dma_wait3A_441 = arith.constant 19 : i32
    %dma_wait3A_442 = arith.constant 0 : i32
    %dma_wait3A_443 = tpu.memref_slice %arg8[%dma_wait3A_440, %dma_wait3A_442] : memref<25x128xf32, #tpu.memory_space<vmem>> -> memref<1x128xf32, #tpu.memory_space<vmem>>
    %dma_wait3A_444 = tpu.memref_squeeze %dma_wait3A_443 : memref<1x128xf32, #tpu.memory_space<vmem>> -> memref<128xf32, #tpu.memory_space<vmem>>
    %dma_wait3A_445 = arith.constant 0 : i32
    %dma_wait3A_446 = tpu.memref_slice %arg7[%dma_wait3A_441, %dma_wait3A_445] : memref<25x128xi32, #tpu.memory_space<vmem>> -> memref<1x128xi32, #tpu.memory_space<vmem>>
    %dma_wait3A_447 = tpu.memref_squeeze %dma_wait3A_446 : memref<1x128xi32, #tpu.memory_space<vmem>> -> memref<128xi32, #tpu.memory_space<vmem>>
    %dma_wait3A_448 = arith.constant 0 : i32
    %dma_wait3A_449 = tpu.memref_slice %arg9[%dma_wait3A_448] : memref<100000xf32, #tpu.memory_space<vmem_shared>> -> memref<100000xf32, #tpu.memory_space<vmem_shared>>
    tpu.wait_indirect_dma semaphore(%arg10 : memref<!tpu.dma_semaphore, #tpu.memory_space<semaphore_mem>>) src(%dma_wait3A_444 : memref<128xf32, #tpu.memory_space<vmem>>) dst(%dma_wait3A_449 : memref<100000xf32, #tpu.memory_space<vmem_shared>>)
    %dma_wait3A_450 = arith.constant 20 : i32
    %dma_wait3A_451 = arith.constant 20 : i32
    %dma_wait3A_452 = arith.constant 0 : i32
    %dma_wait3A_453 = tpu.memref_slice %arg8[%dma_wait3A_450, %dma_wait3A_452] : memref<25x128xf32, #tpu.memory_space<vmem>> -> memref<1x128xf32, #tpu.memory_space<vmem>>
    %dma_wait3A_454 = tpu.memref_squeeze %dma_wait3A_453 : memref<1x128xf32, #tpu.memory_space<vmem>> -> memref<128xf32, #tpu.memory_space<vmem>>
    %dma_wait3A_455 = arith.constant 0 : i32
    %dma_wait3A_456 = tpu.memref_slice %arg7[%dma_wait3A_451, %dma_wait3A_455] : memref<25x128xi32, #tpu.memory_space<vmem>> -> memref<1x128xi32, #tpu.memory_space<vmem>>
    %dma_wait3A_457 = tpu.memref_squeeze %dma_wait3A_456 : memref<1x128xi32, #tpu.memory_space<vmem>> -> memref<128xi32, #tpu.memory_space<vmem>>
    %dma_wait3A_458 = arith.constant 0 : i32
    %dma_wait3A_459 = tpu.memref_slice %arg9[%dma_wait3A_458] : memref<100000xf32, #tpu.memory_space<vmem_shared>> -> memref<100000xf32, #tpu.memory_space<vmem_shared>>
    tpu.wait_indirect_dma semaphore(%arg10 : memref<!tpu.dma_semaphore, #tpu.memory_space<semaphore_mem>>) src(%dma_wait3A_454 : memref<128xf32, #tpu.memory_space<vmem>>) dst(%dma_wait3A_459 : memref<100000xf32, #tpu.memory_space<vmem_shared>>)
    %dma_wait3A_460 = arith.constant 21 : i32
    %dma_wait3A_461 = arith.constant 21 : i32
    %dma_wait3A_462 = arith.constant 0 : i32
    %dma_wait3A_463 = tpu.memref_slice %arg8[%dma_wait3A_460, %dma_wait3A_462] : memref<25x128xf32, #tpu.memory_space<vmem>> -> memref<1x128xf32, #tpu.memory_space<vmem>>
    %dma_wait3A_464 = tpu.memref_squeeze %dma_wait3A_463 : memref<1x128xf32, #tpu.memory_space<vmem>> -> memref<128xf32, #tpu.memory_space<vmem>>
    %dma_wait3A_465 = arith.constant 0 : i32
    %dma_wait3A_466 = tpu.memref_slice %arg7[%dma_wait3A_461, %dma_wait3A_465] : memref<25x128xi32, #tpu.memory_space<vmem>> -> memref<1x128xi32, #tpu.memory_space<vmem>>
    %dma_wait3A_467 = tpu.memref_squeeze %dma_wait3A_466 : memref<1x128xi32, #tpu.memory_space<vmem>> -> memref<128xi32, #tpu.memory_space<vmem>>
    %dma_wait3A_468 = arith.constant 0 : i32
    %dma_wait3A_469 = tpu.memref_slice %arg9[%dma_wait3A_468] : memref<100000xf32, #tpu.memory_space<vmem_shared>> -> memref<100000xf32, #tpu.memory_space<vmem_shared>>
    tpu.wait_indirect_dma semaphore(%arg10 : memref<!tpu.dma_semaphore, #tpu.memory_space<semaphore_mem>>) src(%dma_wait3A_464 : memref<128xf32, #tpu.memory_space<vmem>>) dst(%dma_wait3A_469 : memref<100000xf32, #tpu.memory_space<vmem_shared>>)
    %dma_wait3A_470 = arith.constant 22 : i32
    %dma_wait3A_471 = arith.constant 22 : i32
    %dma_wait3A_472 = arith.constant 0 : i32
    %dma_wait3A_473 = tpu.memref_slice %arg8[%dma_wait3A_470, %dma_wait3A_472] : memref<25x128xf32, #tpu.memory_space<vmem>> -> memref<1x128xf32, #tpu.memory_space<vmem>>
    %dma_wait3A_474 = tpu.memref_squeeze %dma_wait3A_473 : memref<1x128xf32, #tpu.memory_space<vmem>> -> memref<128xf32, #tpu.memory_space<vmem>>
    %dma_wait3A_475 = arith.constant 0 : i32
    %dma_wait3A_476 = tpu.memref_slice %arg7[%dma_wait3A_471, %dma_wait3A_475] : memref<25x128xi32, #tpu.memory_space<vmem>> -> memref<1x128xi32, #tpu.memory_space<vmem>>
    %dma_wait3A_477 = tpu.memref_squeeze %dma_wait3A_476 : memref<1x128xi32, #tpu.memory_space<vmem>> -> memref<128xi32, #tpu.memory_space<vmem>>
    %dma_wait3A_478 = arith.constant 0 : i32
    %dma_wait3A_479 = tpu.memref_slice %arg9[%dma_wait3A_478] : memref<100000xf32, #tpu.memory_space<vmem_shared>> -> memref<100000xf32, #tpu.memory_space<vmem_shared>>
    tpu.wait_indirect_dma semaphore(%arg10 : memref<!tpu.dma_semaphore, #tpu.memory_space<semaphore_mem>>) src(%dma_wait3A_474 : memref<128xf32, #tpu.memory_space<vmem>>) dst(%dma_wait3A_479 : memref<100000xf32, #tpu.memory_space<vmem_shared>>)
    %dma_wait3A_480 = arith.constant 23 : i32
    %dma_wait3A_481 = arith.constant 23 : i32
    %dma_wait3A_482 = arith.constant 0 : i32
    %dma_wait3A_483 = tpu.memref_slice %arg8[%dma_wait3A_480, %dma_wait3A_482] : memref<25x128xf32, #tpu.memory_space<vmem>> -> memref<1x128xf32, #tpu.memory_space<vmem>>
    %dma_wait3A_484 = tpu.memref_squeeze %dma_wait3A_483 : memref<1x128xf32, #tpu.memory_space<vmem>> -> memref<128xf32, #tpu.memory_space<vmem>>
    %dma_wait3A_485 = arith.constant 0 : i32
    %dma_wait3A_486 = tpu.memref_slice %arg7[%dma_wait3A_481, %dma_wait3A_485] : memref<25x128xi32, #tpu.memory_space<vmem>> -> memref<1x128xi32, #tpu.memory_space<vmem>>
    %dma_wait3A_487 = tpu.memref_squeeze %dma_wait3A_486 : memref<1x128xi32, #tpu.memory_space<vmem>> -> memref<128xi32, #tpu.memory_space<vmem>>
    %dma_wait3A_488 = arith.constant 0 : i32
    %dma_wait3A_489 = tpu.memref_slice %arg9[%dma_wait3A_488] : memref<100000xf32, #tpu.memory_space<vmem_shared>> -> memref<100000xf32, #tpu.memory_space<vmem_shared>>
    tpu.wait_indirect_dma semaphore(%arg10 : memref<!tpu.dma_semaphore, #tpu.memory_space<semaphore_mem>>) src(%dma_wait3A_484 : memref<128xf32, #tpu.memory_space<vmem>>) dst(%dma_wait3A_489 : memref<100000xf32, #tpu.memory_space<vmem_shared>>)
    %dma_wait3A_490 = arith.constant 24 : i32
    %dma_wait3A_491 = arith.constant 24 : i32
    %dma_wait3A_492 = arith.constant 0 : i32
    %dma_wait3A_493 = tpu.memref_slice %arg8[%dma_wait3A_490, %dma_wait3A_492] : memref<25x128xf32, #tpu.memory_space<vmem>> -> memref<1x128xf32, #tpu.memory_space<vmem>>
    %dma_wait3A_494 = tpu.memref_squeeze %dma_wait3A_493 : memref<1x128xf32, #tpu.memory_space<vmem>> -> memref<128xf32, #tpu.memory_space<vmem>>
    %dma_wait3A_495 = arith.constant 0 : i32
    %dma_wait3A_496 = tpu.memref_slice %arg7[%dma_wait3A_491, %dma_wait3A_495] : memref<25x128xi32, #tpu.memory_space<vmem>> -> memref<1x128xi32, #tpu.memory_space<vmem>>
    %dma_wait3A_497 = tpu.memref_squeeze %dma_wait3A_496 : memref<1x128xi32, #tpu.memory_space<vmem>> -> memref<128xi32, #tpu.memory_space<vmem>>
    %dma_wait3A_498 = arith.constant 0 : i32
    %dma_wait3A_499 = tpu.memref_slice %arg9[%dma_wait3A_498] : memref<100000xf32, #tpu.memory_space<vmem_shared>> -> memref<100000xf32, #tpu.memory_space<vmem_shared>>
    tpu.wait_indirect_dma semaphore(%arg10 : memref<!tpu.dma_semaphore, #tpu.memory_space<semaphore_mem>>) src(%dma_wait3A_494 : memref<128xf32, #tpu.memory_space<vmem>>) dst(%dma_wait3A_499 : memref<100000xf32, #tpu.memory_space<vmem_shared>>)
    %barrier3A_500 = arith.constant 0 : index
    tpu.barrier barrier_id(%barrier3A_500)
    %eq3A_501 = arith.constant 0 : i32
    %eq3A_502 = arith.cmpi eq, %arg1, %eq3A_501 : i32
    %eq3A_503 = arith.constant 0 : i32
    %eq3A_504 = arith.cmpi eq, %arg0, %eq3A_503 : i32
    %and3A = arith.andi %eq3A_502, %eq3A_504 : i1
    %convert_element_type3A_505 = arith.extui %and3A : i1 to i32
    %cond3A_506 = arith.constant 0 : i32
    %cond3A_507 = arith.cmpi ne, %convert_element_type3A_505, %cond3A_506 : i32
    scf.if %cond3A_507 {
      "tpu.region"() ({
        %run_scoped3A = tpu.sem_alloc : memref<!tpu.dma_semaphore, #tpu.memory_space<semaphore_mem>>
        tpu.enqueue_dma source(%arg9 : memref<100000xf32, #tpu.memory_space<vmem_shared>>) target(%arg5 : memref<100000xf32, #tpu.memory_space<hbm>>) target_semaphore(%run_scoped3A : memref<!tpu.dma_semaphore, #tpu.memory_space<semaphore_mem>>)
        tpu.wait_dma2 semaphore(%run_scoped3A : memref<!tpu.dma_semaphore, #tpu.memory_space<semaphore_mem>>) src(%arg9 : memref<100000xf32, #tpu.memory_space<vmem_shared>>) dst(%arg5 : memref<100000xf32, #tpu.memory_space<hbm>>)
        tpu.yield
      }) : () -> ()
    } else {
    }
    %eq3A_508 = arith.constant 0 : i32
    %eq3A_509 = arith.cmpi eq, %arg1, %eq3A_508 : i32
    %eq3A_510 = arith.constant 1 : i32
    %eq3A_511 = arith.cmpi eq, %arg0, %eq3A_510 : i32
    %and3A_512 = arith.andi %eq3A_509, %eq3A_511 : i1
    %convert_element_type3A_513 = arith.extui %and3A_512 : i1 to i32
    %cond3A_514 = arith.constant 0 : i32
    %cond3A_515 = arith.cmpi ne, %convert_element_type3A_513, %cond3A_514 : i32
    scf.if %cond3A_515 {
      "tpu.region"() ({
        %run_scoped3A = tpu.sem_alloc : memref<!tpu.dma_semaphore, #tpu.memory_space<semaphore_mem>>
        tpu.enqueue_dma source(%arg9 : memref<100000xf32, #tpu.memory_space<vmem_shared>>) target(%arg6 : memref<100000xf32, #tpu.memory_space<hbm>>) target_semaphore(%run_scoped3A : memref<!tpu.dma_semaphore, #tpu.memory_space<semaphore_mem>>)
        tpu.wait_dma2 semaphore(%run_scoped3A : memref<!tpu.dma_semaphore, #tpu.memory_space<semaphore_mem>>) src(%arg9 : memref<100000xf32, #tpu.memory_space<vmem_shared>>) dst(%arg6 : memref<100000xf32, #tpu.memory_space<hbm>>)
        tpu.yield
      }) : () -> ()
    } else {
    }
    return
  }
}

module attributes {stable_mosaic.version = 14 : i64} {
  func.func @_tc_loss_body(%arg0: i32, %arg1: memref<25000x128xf32, #tpu.memory_space<vmem>>, %arg2: memref<1x1x25000xf32, #tpu.memory_space<vmem>>, %arg3: memref<1x1x25000xf32, #tpu.memory_space<vmem>>, %arg4: memref<1x1xf32, #tpu.memory_space<vmem>>, %arg5: memref<8x128xf32, #tpu.memory_space<vmem>>) attributes {dimension_semantics = [#tpu.dimension_semantics<arbitrary>], iteration_bounds = array<i64: 4>, scalar_prefetch = 0 : i64, scratch_operands = 1 : i64, tpu.core_type = #tpu.core_type<tc>, window_params = [{transform_indices = @transform_0, window_bounds = array<i64: 25000, 128>}, {transform_indices = @transform_1, window_bounds = array<i64: 1, 1, 25000>}, {transform_indices = @transform_2, window_bounds = array<i64: 1, 1, 25000>}, {pipeline_mode = #tpu.pipeline_mode<synchronous>, transform_indices = @transform_3, window_bounds = array<i64: 1, 1>}]} {
    %get3A = arith.constant 0 : index
    %get3A_0 = arith.constant 0 : index
    %get3A_1 = vector.load %arg1[%get3A, %get3A_0] : memref<25000x128xf32, #tpu.memory_space<vmem>>, vector<25000x128xf32>
    %convert_element_type3A = arith.truncf %get3A_1 : vector<25000x128xf32> to vector<25000x128xbf16>
    %mul3A = arith.mulf %convert_element_type3A, %convert_element_type3A : vector<25000x128xbf16>
    %broadcast_in_dim3A = arith.constant 1.000000e+00 : bf16
    %broadcast_in_dim3A_2 = vector.broadcast %broadcast_in_dim3A : bf16 to vector<8x128xbf16>
    %dot_general3A = arith.constant dense<0.000000e+00> : vector<8x25000xf32>
    %dot_general3A_3 = tpu.matmul %broadcast_in_dim3A_2, %mul3A, %dot_general3A {dimension_numbers = #tpu.dot_dimension_numbers<[1], [1], [0], [0], [0, 0, 1, 0], [], []>, transpose_lhs_hint = false} : vector<8x128xbf16>, vector<25000x128xbf16>, vector<8x25000xf32> -> vector<8x25000xf32>
    %slice3A = vector.extract_strided_slice %dot_general3A_3 {offsets = [0, 0], sizes = [1, 25000], strides = [1, 1]} : vector<8x25000xf32> to vector<1x25000xf32>
    %max3A = arith.constant 1.000000e-16 : f32
    %max3A_4 = vector.broadcast %max3A : f32 to vector<1x25000xf32>
    %max3A_5 = arith.maximumf %slice3A, %max3A_4 : vector<1x25000xf32>
    %rsqrt3A = math.rsqrt %max3A_5 : vector<1x25000xf32>
    %get3A_6 = arith.constant 0 : index
    %get3A_7 = arith.constant 0 : index
    %get3A_8 = arith.constant 0 : index
    %get3A_9 = vector.load %arg2[%get3A_6, %get3A_7, %get3A_8] : memref<1x1x25000xf32, #tpu.memory_space<vmem>>, vector<1x1x25000xf32>
    %get3A_10 = vector.shape_cast %get3A_9 : vector<1x1x25000xf32> to vector<1x25000xf32>
    %get3A_11 = arith.constant 0 : index
    %get3A_12 = arith.constant 0 : index
    %get3A_13 = arith.constant 0 : index
    %get3A_14 = vector.load %arg3[%get3A_11, %get3A_12, %get3A_13] : memref<1x1x25000xf32, #tpu.memory_space<vmem>>, vector<1x1x25000xf32>
    %get3A_15 = vector.shape_cast %get3A_14 : vector<1x1x25000xf32> to vector<1x25000xf32>
    %mul3A_16 = arith.mulf %get3A_10, %rsqrt3A : vector<1x25000xf32>
    %mul3A_17 = arith.mulf %get3A_15, %rsqrt3A : vector<1x25000xf32>
    %broadcast_in_dim3A_18 = arith.constant 0.000000e+00 : f32
    %broadcast_in_dim3A_19 = vector.broadcast %broadcast_in_dim3A_18 : f32 to vector<4x25000xf32>
    %concatenate3A = tpu.concatenate %get3A_10, %get3A_15, %mul3A_16, %mul3A_17, %broadcast_in_dim3A_19 in 0 : vector<1x25000xf32>, vector<1x25000xf32>, vector<1x25000xf32>, vector<1x25000xf32>, vector<4x25000xf32> -> vector<8x25000xf32>
    %convert_element_type3A_20 = arith.truncf %concatenate3A : vector<8x25000xf32> to vector<8x25000xbf16>
    %dot_general3A_21 = arith.constant dense<0.000000e+00> : vector<8x128xf32>
    %dot_general3A_22 = tpu.matmul %convert_element_type3A_20, %convert_element_type3A, %dot_general3A_21 {dimension_numbers = #tpu.dot_dimension_numbers<[1], [0], [0], [1], [0, 0, 1, 1], [], []>, transpose_lhs_hint = false} : vector<8x25000xbf16>, vector<25000x128xbf16>, vector<8x128xf32> -> vector<8x128xf32>
    %eq3A = arith.constant 0 : i32
    %eq3A_23 = arith.cmpi eq, %arg0, %eq3A : i32
    %convert_element_type3A_24 = arith.extui %eq3A_23 : i1 to i32
    %cond3A = arith.constant 0 : i32
    %cond3A_25 = arith.cmpi ne, %convert_element_type3A_24, %cond3A : i32
    scf.if %cond3A_25 {
      %broadcast_in_dim3A_36 = arith.constant 0.000000e+00 : f32
      %broadcast_in_dim3A_37 = vector.broadcast %broadcast_in_dim3A_36 : f32 to vector<8x128xf32>
      %swap3A_38 = arith.constant 0 : index
      %swap3A_39 = arith.constant 0 : index
      %swap3A_40 = vector.load %arg5[%swap3A_38, %swap3A_39] : memref<8x128xf32, #tpu.memory_space<vmem>>, vector<8x128xf32>
      tpu.vector_store %arg5[%swap3A_38, %swap3A_39], %broadcast_in_dim3A_37 {strides = array<i32>} : memref<8x128xf32, #tpu.memory_space<vmem>>, vector<8x128xf32>,
    } else {
    }
    %get3A_26 = arith.constant 0 : index
    %get3A_27 = arith.constant 0 : index
    %get3A_28 = vector.load %arg5[%get3A_26, %get3A_27] : memref<8x128xf32, #tpu.memory_space<vmem>>, vector<8x128xf32>
    %add3A = arith.addf %get3A_28, %dot_general3A_22 : vector<8x128xf32>
    %swap3A = arith.constant 0 : index
    %swap3A_29 = arith.constant 0 : index
    %swap3A_30 = vector.load %arg5[%swap3A, %swap3A_29] : memref<8x128xf32, #tpu.memory_space<vmem>>, vector<8x128xf32>
    tpu.vector_store %arg5[%swap3A, %swap3A_29], %add3A {strides = array<i32>} : memref<8x128xf32, #tpu.memory_space<vmem>>, vector<8x128xf32>,
    %eq3A_31 = arith.constant 3 : i32
    %eq3A_32 = arith.cmpi eq, %arg0, %eq3A_31 : i32
    %convert_element_type3A_33 = arith.extui %eq3A_32 : i1 to i32
    %cond3A_34 = arith.constant 0 : i32
    %cond3A_35 = arith.cmpi ne, %convert_element_type3A_33, %cond3A_34 : i32
    scf.if %cond3A_35 {
      %get3A_36 = arith.constant 0 : index
      %get3A_37 = arith.constant 0 : index
      %get3A_38 = vector.load %arg5[%get3A_36, %get3A_37] : memref<8x128xf32, #tpu.memory_space<vmem>>, vector<8x128xf32>
      %slice3A_39 = vector.extract_strided_slice %get3A_38 {offsets = [0, 0], sizes = [1, 128], strides = [1, 1]} : vector<8x128xf32> to vector<1x128xf32>
      %squeeze3A = vector.shape_cast %slice3A_39 : vector<1x128xf32> to vector<128xf32>
      %slice3A_40 = vector.extract_strided_slice %get3A_38 {offsets = [1, 0], sizes = [1, 128], strides = [1, 1]} : vector<8x128xf32> to vector<1x128xf32>
      %squeeze3A_41 = vector.shape_cast %slice3A_40 : vector<1x128xf32> to vector<128xf32>
      %slice3A_42 = vector.extract_strided_slice %get3A_38 {offsets = [2, 0], sizes = [1, 128], strides = [1, 1]} : vector<8x128xf32> to vector<1x128xf32>
      %squeeze3A_43 = vector.shape_cast %slice3A_42 : vector<1x128xf32> to vector<128xf32>
      %slice3A_44 = vector.extract_strided_slice %get3A_38 {offsets = [3, 0], sizes = [1, 128], strides = [1, 1]} : vector<8x128xf32> to vector<1x128xf32>
      %squeeze3A_45 = vector.shape_cast %slice3A_44 : vector<1x128xf32> to vector<128xf32>
      %mul3A_46 = arith.mulf %squeeze3A, %squeeze3A_43 : vector<128xf32>
      %reduce_sum3A = vector.shape_cast %mul3A_46 : vector<128xf32> to vector<1x128xf32>
      %reduce_sum3A_47 = arith.constant dense<0.000000e+00> : vector<1xf32>
      %reduce_sum3A_48 = vector.multi_reduction <add>, %reduce_sum3A, %reduce_sum3A_47 [1] : vector<1x128xf32> to vector<1xf32>
      %reduce_sum3A_49 = vector.shape_cast %reduce_sum3A_48 : vector<1xf32> to vector<1x1xf32>
      %reduce_sum3A_50 = vector.extract %reduce_sum3A_49[0, 0] : f32 from vector<1x1xf32>
      %mul3A_51 = arith.mulf %squeeze3A, %squeeze3A : vector<128xf32>
      %reduce_sum3A_52 = vector.shape_cast %mul3A_51 : vector<128xf32> to vector<1x128xf32>
      %reduce_sum3A_53 = arith.constant dense<0.000000e+00> : vector<1xf32>
      %reduce_sum3A_54 = vector.multi_reduction <add>, %reduce_sum3A_52, %reduce_sum3A_53 [1] : vector<1x128xf32> to vector<1xf32>
      %reduce_sum3A_55 = vector.shape_cast %reduce_sum3A_54 : vector<1xf32> to vector<1x1xf32>
      %reduce_sum3A_56 = vector.extract %reduce_sum3A_55[0, 0] : f32 from vector<1x1xf32>
      %sqrt3A = math.sqrt %reduce_sum3A_56 : f32
      %mul3A_57 = arith.constant 5.000000e+04 : f32
      %mul3A_58 = arith.constant 9.99999993E-9 : f32
      %mul3A_59 = arith.mulf %mul3A_57, %mul3A_58 : f32
      %max3A_60 = arith.maximumf %sqrt3A, %mul3A_59 : f32
      %mul3A_61 = arith.constant 5.000000e+04 : f32
      %mul3A_62 = arith.mulf %mul3A_61, %max3A_60 : f32
      %div3A = arith.divf %reduce_sum3A_50, %mul3A_62 : f32
      %mul3A_63 = arith.mulf %squeeze3A_41, %squeeze3A_45 : vector<128xf32>
      %reduce_sum3A_64 = vector.shape_cast %mul3A_63 : vector<128xf32> to vector<1x128xf32>
      %reduce_sum3A_65 = arith.constant dense<0.000000e+00> : vector<1xf32>
      %reduce_sum3A_66 = vector.multi_reduction <add>, %reduce_sum3A_64, %reduce_sum3A_65 [1] : vector<1x128xf32> to vector<1xf32>
      %reduce_sum3A_67 = vector.shape_cast %reduce_sum3A_66 : vector<1xf32> to vector<1x1xf32>
      %reduce_sum3A_68 = vector.extract %reduce_sum3A_67[0, 0] : f32 from vector<1x1xf32>
      %mul3A_69 = arith.mulf %squeeze3A_41, %squeeze3A_41 : vector<128xf32>
      %reduce_sum3A_70 = vector.shape_cast %mul3A_69 : vector<128xf32> to vector<1x128xf32>
      %reduce_sum3A_71 = arith.constant dense<0.000000e+00> : vector<1xf32>
      %reduce_sum3A_72 = vector.multi_reduction <add>, %reduce_sum3A_70, %reduce_sum3A_71 [1] : vector<1x128xf32> to vector<1xf32>
      %reduce_sum3A_73 = vector.shape_cast %reduce_sum3A_72 : vector<1xf32> to vector<1x1xf32>
      %reduce_sum3A_74 = vector.extract %reduce_sum3A_73[0, 0] : f32 from vector<1x1xf32>
      %sqrt3A_75 = math.sqrt %reduce_sum3A_74 : f32
      %mul3A_76 = arith.constant 5.000000e+04 : f32
      %mul3A_77 = arith.constant 9.99999993E-9 : f32
      %mul3A_78 = arith.mulf %mul3A_76, %mul3A_77 : f32
      %max3A_79 = arith.maximumf %sqrt3A_75, %mul3A_78 : f32
      %mul3A_80 = arith.constant 5.000000e+04 : f32
      %mul3A_81 = arith.mulf %mul3A_80, %max3A_79 : f32
      %div3A_82 = arith.divf %reduce_sum3A_68, %mul3A_81 : f32
      %sub3A = arith.constant 2.000000e+00 : f32
      %sub3A_83 = arith.subf %sub3A, %div3A : f32
      %sub3A_84 = arith.subf %sub3A_83, %div3A_82 : f32
      %broadcast_in_dim3A_85 = vector.broadcast %sub3A_84 : f32 to vector<1x1xf32>
      %swap3A_86 = arith.constant 0 : index
      %swap3A_87 = arith.constant 0 : index
      %swap3A_88 = vector.load %arg4[%swap3A_86, %swap3A_87] : memref<1x1xf32, #tpu.memory_space<vmem>>, vector<1x1xf32>
      tpu.vector_store %arg4[%swap3A_86, %swap3A_87], %broadcast_in_dim3A_85 {strides = array<i32>} : memref<1x1xf32, #tpu.memory_space<vmem>>, vector<1x1xf32>,
    } else {
    }
    return
  }
  func.func @transform_0(%arg0: i32) -> (i32, i32) {
    %c0_i32 = arith.constant 0 : i32
    %c0_i32_0 = arith.constant 0 : i32
    return %arg0, %c0_i32 : i32, i32
  }
  func.func @transform_1(%arg0: i32) -> (i32, i32, i32) {
    %c0_i32 = arith.constant 0 : i32
    %c0_i32_0 = arith.constant 0 : i32
    %c0_i32_1 = arith.constant 0 : i32
    return %arg0, %c0_i32, %c0_i32_0 : i32, i32, i32
  }
  func.func @transform_2(%arg0: i32) -> (i32, i32, i32) {
    %c0_i32 = arith.constant 0 : i32
    %c0_i32_0 = arith.constant 0 : i32
    %c0_i32_1 = arith.constant 0 : i32
    return %arg0, %c0_i32, %c0_i32_0 : i32, i32, i32
  }
  func.func @transform_3(%arg0: i32) -> (i32, i32) {
    %c0_i32 = arith.constant 0 : i32
    %c0_i32_0 = arith.constant 0 : i32
    %c0_i32_1 = arith.constant 0 : i32
    return %c0_i32, %c0_i32_0 : i32, i32
  }
}

</mosaic_0001>

<sc_bundles>
// kernel: kernel.4.cloned.1.call-start
scs
__scs_entry_jumppad:
0x0: {  	(pc) =	sbr.rel $0x88, $3  }
0x1: {  	(tag) =	ssettag $0x0;
	lr =	simm.s32 $0x1  }
0x2: {  	[smem:$0x3F9E] =	sst lr;
	_ =	strace $0xD0000000  }
0x3: {  	_ = 	snop  }
0x4: {  	_ = 	snop  }
0x5: {  	_ = 	snop  }
0x6: {  	_ = 	snop  }
0x7: {  	_ = 	snop  }
__scs_overlays_trampoline_lowered:
0x8: {  	[smem:$0x3FAD] =	sst s0  }
0x9: {  	[smem:$0x3FAE] =	sst s1  }
0xa: {  	[smem:$0x3FAF] =	sst s2  }
0xb: {  	[smem:$0x3FB0] =	sst s3  }
0xc: {  	[smem:$0x3FB1] =	sst s4  }
0xd: {  	[smem:$0x3FB2] =	sst s5  }
0xe: {  	[smem:$0x3FB3] =	sst s6  }
0xf: {  	[smem:$0x3FB4] =	sst s7  }
0x10: {  	[smem:$0x3FB5] =	sst s8  }
0x11: {  	[smem:$0x3FB6] =	sst s9;
	s0 =	simm.s32 @!p0 $0x0  }
0x12: {  	s1 =	sld [smem:$0x3F9C];
	s0 =	simm.s32 @p0 $0x1  }
0x13: {  	[smem:$0x3FB7] =	sst s0;
	s0 =	simm.s32 @!p1 $0x0  }
0x14: {  	s2 =	sld [smem:$0x3F9B];
	s0 =	simm.s32 @p1 $0x1  }
0x15: {  	[smem:$0x3FB8] =	sst s0;
	s0 =	simm.s32 @!p2 $0x0  }
0x16: {  	s3 =	sld [smem:$0x3FDB];
	s0 =	simm.s32 @p2 $0x1  }
0x17: {  	s4 =	simm.s32 $0x1BF5;
	[smem:$0x3FBA] =	sst s0  }
0x18: {  	s0 =	sld [smem:$0x3F9D];
	_ =	swait.ge [sflag:s4], $0x0  }
0x19: {  	s7 =	sld [smem:$0x3F9E]  }
0x1a: {  	s8 =	sadd.s32 $0xFFFFE003, lr  }
0x1b: {  	s9 =	sadd.s32 $0xFFFFFEF7, lr;
	s5 =	simm.s32 $0xFFFFFFFF;
	p2 =	slt.u32 s8, $0xFFFFF086  }
0x1c: {  	p1 =	slt.u32 s9, $0xF7A;
	s5 =	simm.s32 @!p2 $0x0  }
0x1d: {  	s5 =	simm.s32 @p1 $0x1;
	p0 =	seq.s32 s7, s2  }
0x1e: {  	s7 =	smul.u32 @!p0 $0xF7A, s2;
	p2 =	seq.s32 @!p0 s5, $0x0  }
0x1f: {  	s9 =	smul.u32 $0xF7A, s1;
	s8 =	simm.s32 @!p0 $0x1BF5;
	p2 =	por !p2, p0  }
0x20: {  	[sflag:s8] =	ssyncset.s32 @!p0 $0xFFFFF086;
	s6 =	sadd.s32 @!p0 s3, s7;
	s7 =	simm.s32 @!p0 $0x108  }
0x21: {  	s3 =	sadd.s32 s3, s9;
	s6 =	sadd.s32 @!p0 $0x88, s6;
	s7 =	simm.s32 @p2 $0x1082  }
0x22: {  	[simem:s7], [sflag:s8] =	dma.local @!p0 [hbm:s6], $0xF7A  }
0x23: {  	s9 =	sor.u32 $0xD0000000, s2;
	s6 =	simm.s32 $0x108;
	_ =	swait.ge @!p0 [sflag:s8], $0x0  }
0x24: {  	s3 =	sadd.s32 $0x88, s3;
	s6 =	simm.s32 @!p1 $0x1082;
	[sflag:s4] =	ssyncset.s32 $0xFFFFF086  }
0x25: {  	[simem:s6], [sflag:s4] =	dma.local [hbm:s3], $0xF7A  }
0x26: {  	[smem:$0x3F9E] =	sst s1;
	(tag) =	ssettag s2;
	_ =	strace s9  }
0x27: {  	s1 =	sld [smem:$0x3FAE]  }
0x28: {  	s2 =	sld [smem:$0x3FAF]  }
0x29: {  	s4 =	sld [smem:$0x3FB1]  }
0x2a: {  	p0 =	seq.s32 s5, $0x0;
	s5 =	sld [smem:$0x3FB2]  }
0x2b: {  	s6 =	sld [smem:$0x3FB3]  }
0x2c: {  	s7 =	sld [smem:$0x3FB4]  }
0x2d: {  	s3 =	simm.s32 $0x108;
	s8 =	sld [smem:$0x3FB5]  }
0x2e: {  	s3 =	simm.s32 @!p0 $0x1082;
	s9 =	sld [smem:$0x3FB6]  }
0x2f: {  	lr =	sadd.s32 s0, s3;
	s0 =	sld [smem:$0x3FAD]  }
0x30: {  	s3 =	sld [smem:$0x3FB0]  }
0x31: {  	[smem:$0x3FB9] =	sst s10  }
0x32: {  	s10 =	sld [smem:$0x3FB7];
	_ =	sdelay $0x3  }
0x33: {  	p0 =	seq.s32 s10, $0x1;
	s10 =	sld [smem:$0x3FB9];
	_ =	sdelay $0x3  }
0x34: {  	[smem:$0x3FB9] =	sst s10  }
0x35: {  	s10 =	sld [smem:$0x3FB8];
	_ =	sdelay $0x3  }
0x36: {  	p1 =	seq.s32 s10, $0x1;
	s10 =	sld [smem:$0x3FB9];
	_ =	sdelay $0x3  }
0x37: {  	[smem:$0x3FB9] =	sst s10  }
0x38: {  	s10 =	sld [smem:$0x3FBA]  }
0x39: {  	_ = 	snop;
	(pc) =	sbr.ind lr, $3  }
0x3a: {  	_ = 	snop  }
0x3b: {  	_ = 	snop  }
0x3c: {  	p2 =	seq.s32 s10, $0x1;
	s10 =	sld [smem:$0x3FB9]  }
0x3d: {  	_ =	shalt  }
0x3e: {  	_ =	shalt  }
0x3f: {  	_ =	shalt  }
0x40: {  	_ =	shalt  }
0x41: {  	_ =	shalt  }
0x42: {  	_ =	shalt  }
0x43: {  	_ =	shalt  }
0x44: {  	_ =	shalt  }
0x45: {  	_ =	shalt  }
0x46: {  	_ =	shalt  }
0x47: {  	_ =	shalt  }
0x48: {  	_ =	shalt  }
0x49: {  	_ =	shalt  }
0x4a: {  	_ =	shalt  }
0x4b: {  	_ =	shalt  }
0x4c: {  	_ =	shalt  }
0x4d: {  	_ =	shalt  }
0x4e: {  	_ =	shalt  }
0x4f: {  	_ =	shalt  }
0x50: {  	_ =	shalt  }
0x51: {  	_ =	shalt  }
0x52: {  	_ =	shalt  }
0x53: {  	_ =	shalt  }
0x54: {  	_ =	shalt  }
0x55: {  	_ =	shalt  }
0x56: {  	_ =	shalt  }
0x57: {  	_ =	shalt  }
0x58: {  	_ =	shalt  }
0x59: {  	_ =	shalt  }
0x5a: {  	_ =	shalt  }
0x5b: {  	_ =	shalt  }
0x5c: {  	_ =	shalt  }
0x5d: {  	_ =	shalt  }
0x5e: {  	_ =	shalt  }
0x5f: {  	_ =	shalt  }
0x60: {  	_ =	shalt  }
0x61: {  	_ =	shalt  }
0x62: {  	_ =	shalt  }
0x63: {  	_ =	shalt  }
0x64: {  	_ =	shalt  }
0x65: {  	_ =	shalt  }
0x66: {  	_ =	shalt  }
0x67: {  	_ =	shalt  }
0x68: {  	_ =	shalt  }
0x69: {  	_ =	shalt  }
0x6a: {  	_ =	shalt  }
0x6b: {  	_ =	shalt  }
0x6c: {  	_ =	shalt  }
0x6d: {  	_ =	shalt  }
0x6e: {  	_ =	shalt  }
0x6f: {  	_ =	shalt  }
0x70: {  	_ =	shalt  }
0x71: {  	_ =	shalt  }
0x72: {  	_ =	shalt  }
0x73: {  	_ =	shalt  }
0x74: {  	_ =	shalt  }
0x75: {  	_ =	shalt  }
0x76: {  	_ =	shalt  }
0x77: {  	_ =	shalt  }
0x78: {  	_ =	shalt  }
0x79: {  	_ =	shalt  }
0x7a: {  	_ =	shalt  }
0x7b: {  	_ =	shalt  }
0x7c: {  	_ =	shalt  }
0x7d: {  	_ =	shalt  }
0x7e: {  	_ =	shalt  }
0x7f: {  	_ =	shalt  }
0x80: {  	_ =	shalt  }
0x81: {  	_ =	shalt  }
0x82: {  	_ =	shalt  }
0x83: {  	_ =	shalt  }
0x84: {  	_ =	shalt  }
0x85: {  	_ =	shalt  }
0x86: {  	_ =	shalt  }
0x87: {  	_ =	shalt  }
.Lfunc_end0:
.L_simem_size_0:
called_computation_lowered:
.L_overlay_start_0:
0x88: {  	s2 =	sld [smem:$0x3FD9]  }
0x89: {  	s3 =	sld [smem:$0x3FFE];
	_ =	sdelay $0x1  }
0x8a: {  	s1 =	srdreg.scid  }
0x8b: {  	s0 =	sand.u32 $0x1, s1  }
0x8c: {  	s16 =	sshll.u32 s0, $0xA;
	s2 =	sadd.s32 s3, s2  }
0x8d: {  	s2 =	sadd.s32 s2, s16  }
0x8e: {  	[smem:$0x3FC5] =	sst s2  }
0x8f: {  	_ = 	snop  }
0x90: {  	(tm) =	ssettm $0x1  }
0x91: {  	s17 =	sld [smem:$0x3FFB];
	_ =	sdelay $0x3  }
0x92: {  	_ =	strace s17  }
0x93: {  	s2 =	sld [smem:$0x3FFC];
	_ =	sdelay $0x3  }
0x94: {  	_ =	strace s2  }
0x95: {  	s2 =	sld [smem:$0x3FFD];
	_ =	sdelay $0x3  }
0x96: {  	_ =	strace s2  }
0x97: {  	_ =	strace $0x8FFFFFFF  }
0x98: {  	s18 =	sld [smem:$0x3FDB];
	_ =	sdelay $0x1  }
0x99: {  	s19 =	simm.s32 $_scs_section_size  }
0x9a: {  	s4 =	simm.s32 $_size__tile_overlayer_lowered;
	s5 =	simm.s32 $_tile_overlayer_lowered  }
0x9b: {  	s22 =	simm.s32 $0x1BFF;
	s21 =	sshll.u32 s5, $0x1;
	s2 =	sadd.s32 s19, s18  }
0x9c: {  	s6 =	simm.s32 $0x0;
	s20 =	sshll.u32 s4, $0x1;
	s4 =	sadd.s32 s21, s2  }
0x9d: {  	[timem:s6], [sflag:s22] =	dma.local [hbm:s4], s20  }
0x9e: {  	_ =	swait.ge [sflag:s22], s20  }
0x9f: {  	s3 =	ssub.s32 $0x0, s20;
	[sflag:s22] =	ssyncset.done $0x0  }
0xa0: {  	[sflag:s22] =	ssyncadd.s32 s3;
	_ =	sdelay $0x1  }
0xa1: {  	s23 =	simm.s32 $0x1B8B  }
0xa2: {  	_ =	swait.ge [sflag:s23], $0x1  }
0xa3: {  	[sflag:s23] =	ssyncset.done $0x0  }
0xa4: {  	s25 =	simm.s32 $0x1B8E;
	s24 =	sld [smem:$0x3FFE];
	[sflag:s23] =	ssyncadd.s32 $0xFFFFFFFF  }
0xa5: {  	s26 =	simm.s32 $execute0_lowered;
	[smem:$0x3FD2] =	sst s25  }
0xa6: {  	s4 =	sshll.u32 s26, $0x1;
	_ =	strace $0x80000046;
	[dreg:$0x1] =	wrdreg $0xFFFFFFFF  }
0xa7: {  	s28 =	simm.s32 $_size_execute0_lowered;
	s2 =	sadd.s32 s2, s4;
	[dreg:$0x0] =	wrdreg $0x0  }
0xa8: {  	s4 =	sshll.u32 s28, $0x1;
	[dreg:$0x2] =	wrdreg s2  }
0xa9: {  	[dreg:$0x3] =	wrdreg s4  }
0xaa: {  	[dreg:$0x4] =	wrdreg $0xC0  }
0xab: {  	_ =	task [dreg:s6], $0x5FFFF  }
0xac: {  	[dreg:$0x1] =	wrdreg $0xFFFFFFFF  }
0xad: {  	[dreg:$0x0] =	wrdreg $0x60  }
0xae: {  	[dreg:$0x2] =	wrdreg s24  }
0xaf: {  	[dreg:$0x3] =	wrdreg $0x20000  }
0xb0: {  	[dreg:$0x4] =	wrdreg $0x9  }
0xb1: {  	_ =	task.clear_ibuf [dreg:s6], $0x5FFFF;
	_ =	strace $0x90000046  }
0xb2: {  	s29 =	simm.s32 $0x9;
	_ =	strace $0x80000048  }
0xb3: {  	_ =	swait.ge [sflag:s29], $0x1  }
0xb4: {  	[sflag:s29] =	ssyncadd.s32 $0xFFFFFFFF  }
0xb5: {  	_ =	strace $0x90000048  }
0xb6: {  	_ =	sfence  }
0xb7: {  	s30 =	sld [smem:$0x0];
	_ =	sdelay $0x2  }
0xb8: {  	s31 =	sshll.u32 s1, $0xD;
	s1 =	sshrl.u32 s1, $0x2  }
0xb9: {  	s3 =	sand.u32 $0x4000, s31;
	s1 =	sadd.s32 s1, s30  }
0xba: {  	s0 =	sor.u32 s3, s0;
	s1 =	sshll.u32 s1, $0x11  }
0xbb: {  	s0 =	sor.u32 s1, s0  }
0xbc: {  	s0 =	sadd.s32 $0x8F2B, s0  }
0xbd: {  	[sflag:s0] =	ssyncadd.remote.s32 $0x1  }
0xbe: {  	_ =	sfence.sel $0xFFFF  }
0xbf: {  	[dreg:$0x0] =	wrdreg $0xFFFFFFFF;
	(pc) =	sbr.abs _section_cstart, $3  }
0xc0: {  	[dreg:$0x1] =	wrdreg $0xFFFFFFFF  }
0xc1: {  	_ =	task.clear_ibuf [dreg:s6], $0x2FFFF;
	_ =	strace $0x9FFFFFFF  }
0xc2: {  	(tm) =	ssettm $0x7FFFFFFF  }
0xc3: {  	_ =	shalt  }
tec
execute0_lowered:
.L_overlay_start_1:
0x0: {  	(tag) =	ssettag $0x1  }
0x1: {  	s0 =	rddreg [dreg:$0x0]  }
0x2: {  	s1 =	rddreg [dreg:$0x1];
	s2 =	simm.s32 $0x0  }
0x3: {  	[smem:$0x7FF] =	sst s2;
	s5 =	sadd.s32 $0x6800, s0  }
0x4: {  	s9 =	sadd.s32 $0x9A00, s0;
	_ =	strace $0x80000047;
	[dreg:$0x3] =	wrdreg s5  }
0x5: {  	s14 =	simm.s32 $0x1080;
	[dreg:$0x4] =	wrdreg s9  }
0x6: {  	s15 =	simm.s32 $0x100;
	[dreg:$0x9] =	wrdreg s14  }
0x7: {  	s16 =	simm.s32 $0x1100;
	[dreg:$0xa] =	wrdreg s15  }
0x8: {  	s17 =	simm.s32 $0x180;
	[dreg:$0xb] =	wrdreg s16  }
0x9: {  	s18 =	simm.s32 $0x1180;
	[dreg:$0xc] =	wrdreg s17  }
0xa: {  	s19 =	simm.s32 $0x200;
	[dreg:$0xd] =	wrdreg s18  }
0xb: {  	s20 =	simm.s32 $0x1200;
	[dreg:$0xe] =	wrdreg s19  }
0xc: {  	s21 =	simm.s32 $0x280;
	[dreg:$0xf] =	wrdreg s20  }
0xd: {  	s22 =	simm.s32 $0x1280;
	[dreg:$0x10] =	wrdreg s21  }
0xe: {  	s25 =	simm.s32 $0x300;
	[dreg:$0x11] =	wrdreg s22  }
0xf: {  	s26 =	simm.s32 $0x1300;
	[dreg:$0x12] =	wrdreg s25  }
0x10: {  	s28 =	simm.s32 $0x380;
	[dreg:$0x13] =	wrdreg s26  }
0x11: {  	s29 =	simm.s32 $0x1380;
	[dreg:$0x14] =	wrdreg s28  }
0x12: {  	s30 =	simm.s32 $0x400;
	[dreg:$0x15] =	wrdreg s29  }
0x13: {  	s4 =	srdreg.scid;
	s31 =	simm.s32 $0x1400;
	[dreg:$0x16] =	wrdreg s30  }
0x14: {  	s24 =	sand.u32 $0x1, s4;
	s4 =	simm.s32 $0x1480;
	[dreg:$0x17] =	wrdreg s31  }
0x15: {  	s6 =	simm.s32 $0x1500;
	[dreg:$0x19] =	wrdreg s4  }
0x16: {  	s23 =	stileid.u32;
	s7 =	simm.s32 $0x580;
	[dreg:$0x1b] =	wrdreg s6  }
0x17: {  	s8 =	simm.s32 $0x1580;
	s3 =	sshll.u32 s23, $0x9;
	[dreg:$0x1c] =	wrdreg s7  }
0x18: {  	s3 =	sadd.s32 s3, s0;
	s0 =	sadd.s32 $0xCC00, s0;
	[dreg:$0x1d] =	wrdreg s8  }
0x19: {  	s5 =	simm.s32 $0x500;
	[dreg:$0x5] =	wrdreg s0  }
0x1a: {  	s9 =	simm.s32 $0x600;
	[dreg:$0x1a] =	wrdreg s5  }
0x1b: {  	s14 =	simm.s32 $0x1700;
	[dreg:$0x1e] =	wrdreg s9  }
0x1c: {  	s15 =	simm.s32 $0x780;
	[smem:$0x7F7] =	sst s14  }
0x1d: {  	s16 =	simm.s32 $0x1780;
	[smem:$0x7FB] =	sst s15  }
0x1e: {  	s17 =	simm.s32 $0x800;
	[smem:$0x7F6] =	sst s16  }
0x1f: {  	s18 =	simm.s32 $0x1800;
	[smem:$0x7FC] =	sst s17  }
0x20: {  	[smem:$0x7F5] =	sst s18  }
0x21: {  	s19 =	simm.s32 $0x880;
	s5 =	rddreg [dreg:$0x3]  }
0x22: {  	s20 =	simm.s32 $0x1880;
	[smem:$0x7FD] =	sst s19  }
0x23: {  	p0 =	sne.s32 s23, $0x0;
	s13 =	sadd.s32 $0x4800, s3;
	[smem:$0x7F4] =	sst s20  }
0x24: {  	s10 =	sshll.u32 s24, $0xD;
	s0 =	sshrl.u32 @!p0 s1, $0x3;
	[dreg:$0x7] =	wrdreg s13  }
0x25: {  	s11 =	sadd.s32 s10, s3;
	s3 =	simm.s32 $0x480;
	[dreg:$0x8] =	wrdreg s0  }
0x26: {  	s10 =	simm.s32 $0x1600;
	[dreg:$0x18] =	wrdreg s3  }
0x27: {  	s12 =	sadd.s32 $0x800, s11;
	[dreg:$0x1f] =	wrdreg s10  }
0x28: {  	s11 =	simm.s32 $0x680;
	[dreg:$0x6] =	wrdreg s12  }
0x29: {  	s13 =	simm.s32 $0x700;
	[smem:$0x7F9] =	sst s11  }
0x2a: {  	[smem:$0x7FA] =	sst s13  }
0x2b: {  	s12 =	simm.s32 $0x1680;
	s0 =	rddreg [dreg:$0x8]  }
0x2c: {  	s4 =	simm.s32 @!p0 $0x2;
	s3 =	simm.s32 @!p0 $0x1C02;
	[smem:$0x7F8] =	sst s12  }
0x2d: {  	[spmem:s0], [sflag:s3] =	dma.local @!p0 [hbm:s5], $0x30E0  }
0x2e: {  	_ =	swait.ge @!p0 [sflag:s4], $0x30E0  }
0x2f: {  	[sflag:s4] =	ssyncset.done @!p0 $0x0  }
0x30: {  	s5 =	simm.s32 $0x2;
	s21 =	rddreg [dreg:$0x6];
	[sflag:s4] =	ssyncadd.s32 @!p0 $0xFFFFCF20  }
0x31: {  	[tilespmem:s2], [sflag:$0x2] =	stream.linear.gather [hbm4b:s21+s2], $0xC80, $0x38;
	[tilespmem:$0x3870] =	vst v63  }
0x32: {  	_ =	swait.ge [sflag:s5], $0xC80  }
0x33: {  	[sflag:s5] =	ssyncset.done $0x0  }
0x34: {  	s6 =	simm.s32 $0x1000;
	s22 =	rddreg [dreg:$0x7];
	[sflag:s5] =	ssyncadd.s32 $0xFFFFF380  }
0x35: {  	[tilespmem:s6], [sflag:$0x2] =	stream.linear.gather [hbm4b:s22+s2], $0xC80, $0x38;
	[tilespmem:$0x3870] =	vst v63  }
0x36: {  	_ =	swait.ge [sflag:s5], $0xC80  }
0x37: {  	[sflag:s5] =	ssyncset.done $0x0  }
0x38: {  	[sflag:s5] =	ssyncadd.s32 $0xFFFFF380  }
0x39: {  	[bflag:$0x0] =	sbarrier.arrive $0xFFFF  }
0x3a: {  	s0 =	sld [smem:$0x7F4]  }
0x3b: {  	s3 =	sld [smem:$0x7F5]  }
0x3c: {  	s8 =	sld [smem:$0x7F6]  }
0x3d: {  	s9 =	sld [smem:$0x7F7]  }
0x3e: {  	s10 =	sld [smem:$0x7F8]  }
0x3f: {  	s11 =	rddreg [dreg:$0x1f]  }
0x40: {  	s12 =	rddreg [dreg:$0x1d]  }
0x41: {  	s13 =	rddreg [dreg:$0x1b]  }
0x42: {  	s14 =	rddreg [dreg:$0x19]  }
0x43: {  	s15 =	rddreg [dreg:$0x17]  }
0x44: {  	s16 =	rddreg [dreg:$0x15]  }
0x45: {  	s17 =	rddreg [dreg:$0x13]  }
0x46: {  	s7 =	simm.s32 $0x80;
	s18 =	rddreg [dreg:$0xd]  }
0x47: {  	[spmem:s1] =	stream.indirect.scatter.add.f32 [tilespmem:s6], [sflag:$0x1], $0x1, s2, s7, $0xb8;
	[tilespmem:$0x3870] =	vst v63  }
0x48: {  	s19 =	rddreg [dreg:$0x9]  }
0x49: {  	s20 =	rddreg [dreg:$0xb]  }
0x4a: {  	s21 =	rddreg [dreg:$0xa]  }
0x4b: {  	s25 =	rddreg [dreg:$0xc]  }
0x4c: {  	s26 =	rddreg [dreg:$0xf]  }
0x4d: {  	[spmem:s1] =	stream.indirect.scatter.add.f32 [tilespmem:s19], [sflag:$0x1], $0x1, s7, s7, $0xb8;
	[tilespmem:$0x3870] =	vst v63  }
0x4e: {  	s28 =	rddreg [dreg:$0xe]  }
0x4f: {  	[spmem:s1] =	stream.indirect.scatter.add.f32 [tilespmem:s20], [sflag:$0x1], $0x1, s21, s7, $0xb8;
	[tilespmem:$0x3870] =	vst v63  }
0x50: {  	s29 =	rddreg [dreg:$0x11]  }
0x51: {  	[spmem:s1] =	stream.indirect.scatter.add.f32 [tilespmem:s18], [sflag:$0x1], $0x1, s25, s7, $0xb8;
	[tilespmem:$0x3870] =	vst v63  }
0x52: {  	s30 =	rddreg [dreg:$0x10]  }
0x53: {  	[spmem:s1] =	stream.indirect.scatter.add.f32 [tilespmem:s26], [sflag:$0x1], $0x1, s28, s7, $0xb8;
	[tilespmem:$0x3870] =	vst v63  }
0x54: {  	s31 =	rddreg [dreg:$0x12]  }
0x55: {  	[spmem:s1] =	stream.indirect.scatter.add.f32 [tilespmem:s29], [sflag:$0x1], $0x1, s30, s7, $0xb8;
	[tilespmem:$0x3870] =	vst v63  }
0x56: {  	s22 =	rddreg [dreg:$0x18]  }
0x57: {  	[spmem:s1] =	stream.indirect.scatter.add.f32 [tilespmem:s17], [sflag:$0x1], $0x1, s31, s7, $0xb8;
	[tilespmem:$0x3870] =	vst v63  }
0x58: {  	s19 =	rddreg [dreg:$0x14]  }
0x59: {  	[spmem:s1] =	stream.indirect.scatter.add.f32 [tilespmem:s16], [sflag:$0x1], $0x1, s19, s7, $0xb8;
	[tilespmem:$0x3870] =	vst v63  }
0x5a: {  	s21 =	rddreg [dreg:$0x16]  }
0x5b: {  	[spmem:s1] =	stream.indirect.scatter.add.f32 [tilespmem:s15], [sflag:$0x1], $0x1, s21, s7, $0xb8;
	[tilespmem:$0x3870] =	vst v63  }
0x5c: {  	s25 =	rddreg [dreg:$0x1a]  }
0x5d: {  	[spmem:s1] =	stream.indirect.scatter.add.f32 [tilespmem:s14], [sflag:$0x1], $0x1, s22, s7, $0xb8;
	[tilespmem:$0x3870] =	vst v63  }
0x5e: {  	s26 =	rddreg [dreg:$0x1c]  }
0x5f: {  	[spmem:s1] =	stream.indirect.scatter.add.f32 [tilespmem:s13], [sflag:$0x1], $0x1, s25, s7, $0xb8;
	[tilespmem:$0x3870] =	vst v63  }
0x60: {  	s28 =	rddreg [dreg:$0x1e]  }
0x61: {  	[spmem:s1] =	stream.indirect.scatter.add.f32 [tilespmem:s12], [sflag:$0x1], $0x1, s26, s7, $0xb8;
	[tilespmem:$0x3870] =	vst v63  }
0x62: {  	s29 =	sld [smem:$0x7F9]  }
0x63: {  	[spmem:s1] =	stream.indirect.scatter.add.f32 [tilespmem:s11], [sflag:$0x1], $0x1, s28, s7, $0xb8;
	[tilespmem:$0x3870] =	vst v63  }
0x64: {  	s30 =	sld [smem:$0x7FA]  }
0x65: {  	[spmem:s1] =	stream.indirect.scatter.add.f32 [tilespmem:s10], [sflag:$0x1], $0x1, s29, s7, $0xb8;
	[tilespmem:$0x3870] =	vst v63  }
0x66: {  	s31 =	sld [smem:$0x7FB]  }
0x67: {  	[spmem:s1] =	stream.indirect.scatter.add.f32 [tilespmem:s9], [sflag:$0x1], $0x1, s30, s7, $0xb8;
	[tilespmem:$0x3870] =	vst v63  }
0x68: {  	s12 =	sld [smem:$0x7FC]  }
0x69: {  	[spmem:s1] =	stream.indirect.scatter.add.f32 [tilespmem:s8], [sflag:$0x1], $0x1, s31, s7, $0xb8;
	[tilespmem:$0x3870] =	vst v63  }
0x6a: {  	s13 =	sld [smem:$0x7FD]  }
0x6b: {  	[spmem:s1] =	stream.indirect.scatter.add.f32 [tilespmem:s3], [sflag:$0x1], $0x1, s12, s7, $0xb8;
	[tilespmem:$0x3870] =	vst v63  }
0x6c: {  	_ = 	snop  }
0x6d: {  	[spmem:s1] =	stream.indirect.scatter.add.f32 [tilespmem:s0], [sflag:$0x1], $0x1, s13, s7, $0xb8;
	[tilespmem:$0x3870] =	vst v63  }
0x6e: {  	s15 =	simm.s32 $0x1900;
	s14 =	simm.s32 $0x900  }
0x6f: {  	[spmem:s1] =	stream.indirect.scatter.add.f32 [tilespmem:s15], [sflag:$0x1], $0x1, s14, s7, $0xb8;
	[tilespmem:$0x3870] =	vst v63  }
0x70: {  	s17 =	simm.s32 $0x1980;
	s16 =	simm.s32 $0x980  }
0x71: {  	[spmem:s1] =	stream.indirect.scatter.add.f32 [tilespmem:s17], [sflag:$0x1], $0x1, s16, s7, $0xb8;
	[tilespmem:$0x3870] =	vst v63  }
0x72: {  	s18 =	simm.s32 $0xA00;
	s19 =	simm.s32 $0x1A00  }
0x73: {  	[spmem:s1] =	stream.indirect.scatter.add.f32 [tilespmem:s19], [sflag:$0x1], $0x1, s18, s7, $0xb8;
	[tilespmem:$0x3870] =	vst v63  }
0x74: {  	s20 =	simm.s32 $0xA80;
	s21 =	simm.s32 $0x1A80  }
0x75: {  	[spmem:s1] =	stream.indirect.scatter.add.f32 [tilespmem:s21], [sflag:$0x1], $0x1, s20, s7, $0xb8;
	[tilespmem:$0x3870] =	vst v63  }
0x76: {  	s22 =	simm.s32 $0xB00;
	s25 =	simm.s32 $0x1B00  }
0x77: {  	[spmem:s1] =	stream.indirect.scatter.add.f32 [tilespmem:s25], [sflag:$0x1], $0x1, s22, s7, $0xb8;
	[tilespmem:$0x3870] =	vst v63  }
0x78: {  	s26 =	simm.s32 $0xB80;
	s28 =	simm.s32 $0x1B80  }
0x79: {  	[spmem:s1] =	stream.indirect.scatter.add.f32 [tilespmem:s28], [sflag:$0x1], $0x1, s26, s7, $0xb8;
	[tilespmem:$0x3870] =	vst v63  }
0x7a: {  	s19 =	simm.s32 $0x1;
	s21 =	simm.s32 $0xC00;
	s22 =	simm.s32 $0x1C00  }
0x7b: {  	[spmem:s1] =	stream.indirect.scatter.add.f32 [tilespmem:s22], [sflag:$0x1], $0x1, s21, s7, $0xb8;
	[tilespmem:$0x3870] =	vst v63  }
0x7c: {  	_ =	swait.ge [sflag:s19], $0x80  }
0x7d: {  	[sflag:s19] =	ssyncset.done $0x0  }
0x7e: {  	[sflag:s19] =	ssyncadd.s32 $0xFFFFFF80  }
0x7f: {  	_ =	swait.ge [sflag:s19], $0x80  }
0x80: {  	[sflag:s19] =	ssyncset.done $0x0  }
0x81: {  	[sflag:s19] =	ssyncadd.s32 $0xFFFFFF80  }
0x82: {  	_ =	swait.ge [sflag:s19], $0x80  }
0x83: {  	[sflag:s19] =	ssyncset.done $0x0  }
0x84: {  	[sflag:s19] =	ssyncadd.s32 $0xFFFFFF80  }
0x85: {  	_ =	swait.ge [sflag:s19], $0x80  }
0x86: {  	[sflag:s19] =	ssyncset.done $0x0  }
0x87: {  	[sflag:s19] =	ssyncadd.s32 $0xFFFFFF80  }
0x88: {  	_ =	swait.ge [sflag:s19], $0x80  }
0x89: {  	[sflag:s19] =	ssyncset.done $0x0  }
0x8a: {  	[sflag:s19] =	ssyncadd.s32 $0xFFFFFF80  }
0x8b: {  	_ =	swait.ge [sflag:s19], $0x80  }
0x8c: {  	[sflag:s19] =	ssyncset.done $0x0  }
0x8d: {  	[sflag:s19] =	ssyncadd.s32 $0xFFFFFF80  }
0x8e: {  	_ =	swait.ge [sflag:s19], $0x80  }
0x8f: {  	[sflag:s19] =	ssyncset.done $0x0  }
0x90: {  	[sflag:s19] =	ssyncadd.s32 $0xFFFFFF80  }
0x91: {  	_ =	swait.ge [sflag:s19], $0x80  }
0x92: {  	[sflag:s19] =	ssyncset.done $0x0  }
0x93: {  	[sflag:s19] =	ssyncadd.s32 $0xFFFFFF80  }
0x94: {  	_ =	swait.ge [sflag:s19], $0x80  }
0x95: {  	[sflag:s19] =	ssyncset.done $0x0  }
0x96: {  	[sflag:s19] =	ssyncadd.s32 $0xFFFFFF80  }
0x97: {  	_ =	swait.ge [sflag:s19], $0x80  }
0x98: {  	[sflag:s19] =	ssyncset.done $0x0  }
0x99: {  	[sflag:s19] =	ssyncadd.s32 $0xFFFFFF80  }
0x9a: {  	_ =	swait.ge [sflag:s19], $0x80  }
0x9b: {  	[sflag:s19] =	ssyncset.done $0x0  }
0x9c: {  	[sflag:s19] =	ssyncadd.s32 $0xFFFFFF80  }
0x9d: {  	_ =	swait.ge [sflag:s19], $0x80  }
0x9e: {  	[sflag:s19] =	ssyncset.done $0x0  }
0x9f: {  	[sflag:s19] =	ssyncadd.s32 $0xFFFFFF80  }
0xa0: {  	_ =	swait.ge [sflag:s19], $0x80  }
0xa1: {  	[sflag:s19] =	ssyncset.done $0x0  }
0xa2: {  	[sflag:s19] =	ssyncadd.s32 $0xFFFFFF80  }
0xa3: {  	_ =	swait.ge [sflag:s19], $0x80  }
0xa4: {  	[sflag:s19] =	ssyncset.done $0x0  }
0xa5: {  	[sflag:s19] =	ssyncadd.s32 $0xFFFFFF80  }
0xa6: {  	_ =	swait.ge [sflag:s19], $0x80  }
0xa7: {  	[sflag:s19] =	ssyncset.done $0x0  }
0xa8: {  	[sflag:s19] =	ssyncadd.s32 $0xFFFFFF80  }
0xa9: {  	_ =	swait.ge [sflag:s19], $0x80  }
0xaa: {  	[sflag:s19] =	ssyncset.done $0x0  }
0xab: {  	[sflag:s19] =	ssyncadd.s32 $0xFFFFFF80  }
0xac: {  	_ =	swait.ge [sflag:s19], $0x80  }
0xad: {  	[sflag:s19] =	ssyncset.done $0x0  }
0xae: {  	[sflag:s19] =	ssyncadd.s32 $0xFFFFFF80  }
0xaf: {  	_ =	swait.ge [sflag:s19], $0x80  }
0xb0: {  	[sflag:s19] =	ssyncset.done $0x0  }
0xb1: {  	[sflag:s19] =	ssyncadd.s32 $0xFFFFFF80  }
0xb2: {  	_ =	swait.ge [sflag:s19], $0x80  }
0xb3: {  	[sflag:s19] =	ssyncset.done $0x0  }
0xb4: {  	[sflag:s19] =	ssyncadd.s32 $0xFFFFFF80  }
0xb5: {  	_ =	swait.ge [sflag:s19], $0x80  }
0xb6: {  	[sflag:s19] =	ssyncset.done $0x0  }
0xb7: {  	[sflag:s19] =	ssyncadd.s32 $0xFFFFFF80  }
0xb8: {  	s29 =	ssub.s32 $0x2, s24;
	_ =	swait.ge [sflag:s19], $0x80  }
0xb9: {  	s30 =	sshrl.u32 s29, $0x1;
	[sflag:s19] =	ssyncset.done $0x0  }
0xba: {  	s0 =	ssub.s32 s29, s30;
	[sflag:s19] =	ssyncadd.s32 $0xFFFFFF80  }
0xbb: {  	s0 =	smax.u32 s0, $0x1;
	_ =	swait.ge [sflag:s19], $0x80  }
0xbc: {  	s26 =	sadd.s32 $0xFFFFFFFF, s0;
	[sflag:s19] =	ssyncset.done $0x0  }
0xbd: {  	p3 =	sne.s32 s26, $0x0;
	[sflag:s19] =	ssyncadd.s32 $0xFFFFFF80  }
.Ltmp0:
0xbe: {  	p1 =	seq.s32 s23, $0x0;
	_ =	swait.ge [sflag:s19], $0x80;
	(pc) =	sbr.rel @!p3 .LBB2_2-.Ltmp0, $4  }
0xbf: {  	p2 =	seq.s32 s24, $0x1;
	s31 =	sor.u32 s24, s23;
	[sflag:s19] =	ssyncset.done $0x0  }
0xc0: {  	p1 =	por !p1, !p2;
	p2 =	sne.s32 s31, $0x0;
	[sflag:s19] =	ssyncadd.s32 $0xFFFFFF80  }
0xc1: {  	p1 =	por !p1, !p1;
	s24 =	sshrl.u32 @!p2 s1, $0x3;
	_ =	swait.ge [sflag:s19], $0x80  }
0xc2: {  	s25 =	sshll.u32 @!p2 s23, $0x6;
	s23 =	sshrl.u32 @p1 s1, $0x3;
	[sflag:s19] =	ssyncset.done $0x0  }
.LBB2_1:
0xc3: {  	[sflag:s19] =	ssyncadd.s32 $0xFFFFFF80  }
0xc4: {  	_ =	swait.ge [sflag:s19], $0x80  }
0xc5: {  	[sflag:s19] =	ssyncset.done $0x0  }
0xc6: {  	[sflag:s19] =	ssyncadd.s32 $0xFFFFFF80  }
0xc7: {  	[bflag:$0x0] =	sbarrier.arrive $0xFFFF  }
0xc8: {  	s3 =	sor.u32 @!p2 $0x1C02, s25;
	s8 =	simm.s32 @!p2 $0x2;
	s0 =	rddreg [dreg:$0x4]  }
0xc9: {  	[hbm:s0], [sflag:s3] =	dma.local @!p2 [spmem:s24], $0x30E0  }
0xca: {  	_ =	swait.ge @!p2 [sflag:s8], $0x30E0  }
0xcb: {  	s3 =	simm.s32 @p1 $0x1C02;
	[sflag:s8] =	ssyncset.done @!p2 $0x0  }
0xcc: {  	s0 =	rddreg [dreg:$0x5];
	[sflag:s8] =	ssyncadd.s32 @!p2 $0xFFFFCF20;
	s8 =	simm.s32 @p1 $0x2  }
0xcd: {  	[hbm:s0], [sflag:s3] =	dma.local @p1 [spmem:s23], $0x30E0  }
0xce: {  	_ =	swait.ge @p1 [sflag:s8], $0x30E0  }
0xcf: {  	s0 =	rddreg [dreg:$0x8];
	[sflag:s8] =	ssyncset.done @p1 $0x0  }
0xd0: {  	s3 =	rddreg [dreg:$0x3];
	[sflag:s8] =	ssyncadd.s32 @p1 $0xFFFFCF20;
	s8 =	simm.s32 @!p0 $0x1C02  }
0xd1: {  	[spmem:s0], [sflag:s8] =	dma.local @!p0 [hbm:s3], $0x30E0  }
0xd2: {  	_ =	swait.ge @!p0 [sflag:s4], $0x30E0  }
0xd3: {  	[sflag:s4] =	ssyncset.done @!p0 $0x0  }
0xd4: {  	s17 =	rddreg [dreg:$0x6];
	[sflag:s4] =	ssyncadd.s32 @!p0 $0xFFFFCF20  }
0xd5: {  	[tilespmem:s2], [sflag:$0x2] =	stream.linear.gather [hbm4b:s17+s2], $0xC80, $0x38;
	[tilespmem:$0x3870] =	vst v63  }
0xd6: {  	_ =	swait.ge [sflag:s5], $0xC80  }
0xd7: {  	[sflag:s5] =	ssyncset.done $0x0  }
0xd8: {  	s18 =	rddreg [dreg:$0x7];
	[sflag:s5] =	ssyncadd.s32 $0xFFFFF380  }
0xd9: {  	[tilespmem:s6], [sflag:$0x2] =	stream.linear.gather [hbm4b:s18+s2], $0xC80, $0x38;
	[tilespmem:$0x3870] =	vst v63  }
0xda: {  	_ =	swait.ge [sflag:s5], $0xC80  }
0xdb: {  	[sflag:s5] =	ssyncset.done $0x0  }
0xdc: {  	[sflag:s5] =	ssyncadd.s32 $0xFFFFF380  }
0xdd: {  	[bflag:$0x0] =	sbarrier.arrive $0xFFFF  }
0xde: {  	s28 =	sld [smem:$0x7F4]  }
0xdf: {  	s29 =	sld [smem:$0x7F5]  }
0xe0: {  	s30 =	sld [smem:$0x7F6]  }
0xe1: {  	s31 =	sld [smem:$0x7F7]  }
0xe2: {  	s0 =	sld [smem:$0x7F8]  }
0xe3: {  	s3 =	rddreg [dreg:$0x1f]  }
0xe4: {  	s8 =	rddreg [dreg:$0x1d]  }
0xe5: {  	s9 =	rddreg [dreg:$0x1b]  }
0xe6: {  	s10 =	rddreg [dreg:$0x19]  }
0xe7: {  	s11 =	rddreg [dreg:$0x17]  }
0xe8: {  	s12 =	rddreg [dreg:$0x15]  }
0xe9: {  	s13 =	rddreg [dreg:$0x13]  }
0xea: {  	s14 =	rddreg [dreg:$0x11]  }
0xeb: {  	s15 =	rddreg [dreg:$0xf]  }
0xec: {  	s16 =	rddreg [dreg:$0xd]  }
0xed: {  	[spmem:s1] =	stream.indirect.scatter.add.f32 [tilespmem:s6], [sflag:$0x1], $0x1, s2, s7, $0xb8;
	[tilespmem:$0x3870] =	vst v63  }
0xee: {  	s17 =	rddreg [dreg:$0x9]  }
0xef: {  	s18 =	rddreg [dreg:$0xb]  }
0xf0: {  	s20 =	rddreg [dreg:$0xa]  }
0xf1: {  	[spmem:s1] =	stream.indirect.scatter.add.f32 [tilespmem:s17], [sflag:$0x1], $0x1, s7, s7, $0xb8;
	[tilespmem:$0x3870] =	vst v63  }
0xf2: {  	s17 =	rddreg [dreg:$0xc]  }
0xf3: {  	[spmem:s1] =	stream.indirect.scatter.add.f32 [tilespmem:s18], [sflag:$0x1], $0x1, s20, s7, $0xb8;
	[tilespmem:$0x3870] =	vst v63  }
0xf4: {  	s18 =	rddreg [dreg:$0xe]  }
0xf5: {  	[spmem:s1] =	stream.indirect.scatter.add.f32 [tilespmem:s16], [sflag:$0x1], $0x1, s17, s7, $0xb8;
	[tilespmem:$0x3870] =	vst v63  }
0xf6: {  	s20 =	rddreg [dreg:$0x10]  }
0xf7: {  	[spmem:s1] =	stream.indirect.scatter.add.f32 [tilespmem:s15], [sflag:$0x1], $0x1, s18, s7, $0xb8;
	[tilespmem:$0x3870] =	vst v63  }
0xf8: {  	s17 =	rddreg [dreg:$0x12]  }
0xf9: {  	[spmem:s1] =	stream.indirect.scatter.add.f32 [tilespmem:s14], [sflag:$0x1], $0x1, s20, s7, $0xb8;
	[tilespmem:$0x3870] =	vst v63  }
0xfa: {  	s16 =	rddreg [dreg:$0x1c]  }
0xfb: {  	[spmem:s1] =	stream.indirect.scatter.add.f32 [tilespmem:s13], [sflag:$0x1], $0x1, s17, s7, $0xb8;
	[tilespmem:$0x3870] =	vst v63  }
0xfc: {  	s18 =	rddreg [dreg:$0x14]  }
0xfd: {  	[spmem:s1] =	stream.indirect.scatter.add.f32 [tilespmem:s12], [sflag:$0x1], $0x1, s18, s7, $0xb8;
	[tilespmem:$0x3870] =	vst v63  }
0xfe: {  	s20 =	rddreg [dreg:$0x16]  }
0xff: {  	[spmem:s1] =	stream.indirect.scatter.add.f32 [tilespmem:s11], [sflag:$0x1], $0x1, s20, s7, $0xb8;
	[tilespmem:$0x3870] =	vst v63  }
0x100: {  	s14 =	rddreg [dreg:$0x18]  }
0x101: {  	[spmem:s1] =	stream.indirect.scatter.add.f32 [tilespmem:s10], [sflag:$0x1], $0x1, s14, s7, $0xb8;
	[tilespmem:$0x3870] =	vst v63  }
0x102: {  	s15 =	rddreg [dreg:$0x1a]  }
0x103: {  	[spmem:s1] =	stream.indirect.scatter.add.f32 [tilespmem:s9], [sflag:$0x1], $0x1, s15, s7, $0xb8;
	[tilespmem:$0x3870] =	vst v63  }
0x104: {  	s17 =	rddreg [dreg:$0x1e]  }
0x105: {  	[spmem:s1] =	stream.indirect.scatter.add.f32 [tilespmem:s8], [sflag:$0x1], $0x1, s16, s7, $0xb8;
	[tilespmem:$0x3870] =	vst v63  }
0x106: {  	s18 =	sld [smem:$0x7F9]  }
0x107: {  	[spmem:s1] =	stream.indirect.scatter.add.f32 [tilespmem:s3], [sflag:$0x1], $0x1, s17, s7, $0xb8;
	[tilespmem:$0x3870] =	vst v63  }
0x108: {  	s20 =	sld [smem:$0x7FA]  }
0x109: {  	[spmem:s1] =	stream.indirect.scatter.add.f32 [tilespmem:s0], [sflag:$0x1], $0x1, s18, s7, $0xb8;
	[tilespmem:$0x3870] =	vst v63  }
0x10a: {  	s9 =	sld [smem:$0x7FB]  }
0x10b: {  	[spmem:s1] =	stream.indirect.scatter.add.f32 [tilespmem:s31], [sflag:$0x1], $0x1, s20, s7, $0xb8;
	[tilespmem:$0x3870] =	vst v63  }
0x10c: {  	s10 =	sld [smem:$0x7FC]  }
0x10d: {  	[spmem:s1] =	stream.indirect.scatter.add.f32 [tilespmem:s30], [sflag:$0x1], $0x1, s9, s7, $0xb8;
	[tilespmem:$0x3870] =	vst v63  }
0x10e: {  	s11 =	sld [smem:$0x7FD]  }
0x10f: {  	[spmem:s1] =	stream.indirect.scatter.add.f32 [tilespmem:s29], [sflag:$0x1], $0x1, s10, s7, $0xb8;
	[tilespmem:$0x3870] =	vst v63  }
0x110: {  	_ = 	snop  }
0x111: {  	[spmem:s1] =	stream.indirect.scatter.add.f32 [tilespmem:s28], [sflag:$0x1], $0x1, s11, s7, $0xb8;
	[tilespmem:$0x3870] =	vst v63  }
0x112: {  	s13 =	simm.s32 $0x1900;
	s12 =	simm.s32 $0x900  }
0x113: {  	[spmem:s1] =	stream.indirect.scatter.add.f32 [tilespmem:s13], [sflag:$0x1], $0x1, s12, s7, $0xb8;
	[tilespmem:$0x3870] =	vst v63  }
0x114: {  	s14 =	simm.s32 $0x980;
	s15 =	simm.s32 $0x1980  }
0x115: {  	[spmem:s1] =	stream.indirect.scatter.add.f32 [tilespmem:s15], [sflag:$0x1], $0x1, s14, s7, $0xb8;
	[tilespmem:$0x3870] =	vst v63  }
0x116: {  	s16 =	simm.s32 $0xA00;
	s17 =	simm.s32 $0x1A00  }
0x117: {  	[spmem:s1] =	stream.indirect.scatter.add.f32 [tilespmem:s17], [sflag:$0x1], $0x1, s16, s7, $0xb8;
	[tilespmem:$0x3870] =	vst v63  }
0x118: {  	s18 =	simm.s32 $0xA80;
	s20 =	simm.s32 $0x1A80  }
0x119: {  	[spmem:s1] =	stream.indirect.scatter.add.f32 [tilespmem:s20], [sflag:$0x1], $0x1, s18, s7, $0xb8;
	[tilespmem:$0x3870] =	vst v63  }
0x11a: {  	s29 =	simm.s32 $0x1B00;
	s28 =	simm.s32 $0xB00  }
0x11b: {  	[spmem:s1] =	stream.indirect.scatter.add.f32 [tilespmem:s29], [sflag:$0x1], $0x1, s28, s7, $0xb8;
	[tilespmem:$0x3870] =	vst v63  }
0x11c: {  	s31 =	simm.s32 $0x1B80;
	s30 =	simm.s32 $0xB80  }
0x11d: {  	[spmem:s1] =	stream.indirect.scatter.add.f32 [tilespmem:s31], [sflag:$0x1], $0x1, s30, s7, $0xb8;
	[tilespmem:$0x3870] =	vst v63  }
0x11e: {  	_ = 	snop  }
0x11f: {  	[spmem:s1] =	stream.indirect.scatter.add.f32 [tilespmem:s22], [sflag:$0x1], $0x1, s21, s7, $0xb8;
	[tilespmem:$0x3870] =	vst v63  }
0x120: {  	_ =	swait.ge [sflag:s19], $0x80  }
0x121: {  	[sflag:s19] =	ssyncset.done $0x0  }
0x122: {  	[sflag:s19] =	ssyncadd.s32 $0xFFFFFF80  }
0x123: {  	_ =	swait.ge [sflag:s19], $0x80  }
0x124: {  	[sflag:s19] =	ssyncset.done $0x0  }
0x125: {  	[sflag:s19] =	ssyncadd.s32 $0xFFFFFF80  }
0x126: {  	_ =	swait.ge [sflag:s19], $0x80  }
0x127: {  	[sflag:s19] =	ssyncset.done $0x0  }
0x128: {  	[sflag:s19] =	ssyncadd.s32 $0xFFFFFF80  }
0x129: {  	_ =	swait.ge [sflag:s19], $0x80  }
0x12a: {  	[sflag:s19] =	ssyncset.done $0x0  }
0x12b: {  	[sflag:s19] =	ssyncadd.s32 $0xFFFFFF80  }
0x12c: {  	_ =	swait.ge [sflag:s19], $0x80  }
0x12d: {  	[sflag:s19] =	ssyncset.done $0x0  }
0x12e: {  	[sflag:s19] =	ssyncadd.s32 $0xFFFFFF80  }
0x12f: {  	_ =	swait.ge [sflag:s19], $0x80  }
0x130: {  	[sflag:s19] =	ssyncset.done $0x0  }
0x131: {  	[sflag:s19] =	ssyncadd.s32 $0xFFFFFF80  }
0x132: {  	_ =	swait.ge [sflag:s19], $0x80  }
0x133: {  	[sflag:s19] =	ssyncset.done $0x0  }
0x134: {  	[sflag:s19] =	ssyncadd.s32 $0xFFFFFF80  }
0x135: {  	_ =	swait.ge [sflag:s19], $0x80  }
0x136: {  	[sflag:s19] =	ssyncset.done $0x0  }
0x137: {  	[sflag:s19] =	ssyncadd.s32 $0xFFFFFF80  }
0x138: {  	_ =	swait.ge [sflag:s19], $0x80  }
0x139: {  	[sflag:s19] =	ssyncset.done $0x0  }
0x13a: {  	[sflag:s19] =	ssyncadd.s32 $0xFFFFFF80  }
0x13b: {  	_ =	swait.ge [sflag:s19], $0x80  }
0x13c: {  	[sflag:s19] =	ssyncset.done $0x0  }
0x13d: {  	[sflag:s19] =	ssyncadd.s32 $0xFFFFFF80  }
0x13e: {  	_ =	swait.ge [sflag:s19], $0x80  }
0x13f: {  	[sflag:s19] =	ssyncset.done $0x0  }
0x140: {  	[sflag:s19] =	ssyncadd.s32 $0xFFFFFF80  }
0x141: {  	_ =	swait.ge [sflag:s19], $0x80  }
0x142: {  	[sflag:s19] =	ssyncset.done $0x0  }
0x143: {  	[sflag:s19] =	ssyncadd.s32 $0xFFFFFF80  }
0x144: {  	_ =	swait.ge [sflag:s19], $0x80  }
0x145: {  	[sflag:s19] =	ssyncset.done $0x0  }
0x146: {  	[sflag:s19] =	ssyncadd.s32 $0xFFFFFF80  }
0x147: {  	_ =	swait.ge [sflag:s19], $0x80  }
0x148: {  	[sflag:s19] =	ssyncset.done $0x0  }
0x149: {  	[sflag:s19] =	ssyncadd.s32 $0xFFFFFF80  }
0x14a: {  	_ =	swait.ge [sflag:s19], $0x80  }
0x14b: {  	[sflag:s19] =	ssyncset.done $0x0  }
0x14c: {  	[sflag:s19] =	ssyncadd.s32 $0xFFFFFF80  }
0x14d: {  	_ =	swait.ge [sflag:s19], $0x80  }
0x14e: {  	[sflag:s19] =	ssyncset.done $0x0  }
0x14f: {  	[sflag:s19] =	ssyncadd.s32 $0xFFFFFF80  }
0x150: {  	_ =	swait.ge [sflag:s19], $0x80  }
0x151: {  	[sflag:s19] =	ssyncset.done $0x0  }
0x152: {  	[sflag:s19] =	ssyncadd.s32 $0xFFFFFF80  }
0x153: {  	_ =	swait.ge [sflag:s19], $0x80  }
0x154: {  	[sflag:s19] =	ssyncset.done $0x0  }
0x155: {  	[sflag:s19] =	ssyncadd.s32 $0xFFFFFF80  }
0x156: {  	_ =	swait.ge [sflag:s19], $0x80  }
0x157: {  	[sflag:s19] =	ssyncset.done $0x0  }
0x158: {  	[sflag:s19] =	ssyncadd.s32 $0xFFFFFF80  }
0x159: {  	_ =	swait.ge [sflag:s19], $0x80  }
0x15a: {  	[sflag:s19] =	ssyncset.done $0x0  }
0x15b: {  	[sflag:s19] =	ssyncadd.s32 $0xFFFFFF80  }
0x15c: {  	_ =	swait.ge [sflag:s19], $0x80  }
0x15d: {  	[sflag:s19] =	ssyncset.done $0x0  }
0x15e: {  	[sflag:s19] =	ssyncadd.s32 $0xFFFFFF80  }
0x15f: {  	_ =	swait.ge [sflag:s19], $0x80  }
0x160: {  	s26 =	sadd.s32 $0xFFFFFFFF, s26;
	[sflag:s19] =	ssyncset.done $0x0  }
0x161: {  	p3 =	sne.s32 s26, $0x0;
	[sflag:s19] =	ssyncadd.s32 $0xFFFFFF80  }
.Ltmp1:
0x162: {  	_ =	swait.ge [sflag:s19], $0x80;
	(pc) =	sbr.rel @p3 .LBB2_1-.Ltmp1, $4  }
0x163: {  	[sflag:s19] =	ssyncset.done $0x0  }
0x164: {  	[sflag:s19] =	ssyncadd.s32 $0xFFFFFF80  }
0x165: {  	_ =	swait.ge [sflag:s19], $0x80  }
0x166: {  	[sflag:s19] =	ssyncset.done $0x0  }
.LBB2_2:
0x167: {  	[sflag:s19] =	ssyncadd.s32 $0xFFFFFF80  }
0x168: {  	_ =	swait.ge [sflag:s19], $0x80  }
0x169: {  	[sflag:s19] =	ssyncset.done $0x0  }
0x16a: {  	[sflag:s19] =	ssyncadd.s32 $0xFFFFFF80  }
0x16b: {  	[bflag:$0x0] =	sbarrier.arrive $0xFFFF  }
0x16c: {  	s1 =	sor.u32 @!p2 $0x1C02, s25;
	s2 =	simm.s32 @!p2 $0x2;
	s0 =	rddreg [dreg:$0x4]  }
0x16d: {  	[hbm:s0], [sflag:s1] =	dma.local @!p2 [spmem:s24], $0x30E0  }
0x16e: {  	_ =	swait.ge @!p2 [sflag:s2], $0x30E0  }
0x16f: {  	s1 =	simm.s32 @p1 $0x1C02;
	[sflag:s2] =	ssyncset.done @!p2 $0x0  }
0x170: {  	s0 =	rddreg [dreg:$0x5];
	[sflag:s2] =	ssyncadd.s32 @!p2 $0xFFFFCF20;
	s2 =	simm.s32 @p1 $0x2  }
0x171: {  	[hbm:s0], [sflag:s1] =	dma.local @p1 [spmem:s23], $0x30E0  }
0x172: {  	_ =	swait.ge @p1 [sflag:s2], $0x30E0  }
0x173: {  	[sflag:s2] =	ssyncset.done @p1 $0x0  }
0x174: {  	[sflag:s2] =	ssyncadd.s32 @p1 $0xFFFFCF20  }
0x175: {  	_ =	sfence.sel $0x180000  }
0x176: {  	[bflag:$0x0] =	sbarrier.arrive $0xFFFF  }
0x177: {  	_ =	strace $0x90000047  }
0x178: {  	[bflag:$0x2] =	sbarrier.arrive $0xFFFF  }
0x179: {  	s0 =	rddreg [dreg:$0x2]  }
0x17a: {  	s0 =	sadd.s32 @!p0 $0x100000, s0  }
0x17b: {  	[sflag:s0] =	ssyncadd.tile.s32 @!p0 $0x1;
	_ =	shalt  }
.Lfunc_end2:
_tile_overlayer_lowered:
.L_overlay_start_2:
0x17c: {  	(tag) =	ssettag $0x2  }
0x17d: {  	s0 =	rddreg [dreg:$0x0];
	s2 =	stileid.u32  }
0x17e: {  	s1 =	rddreg [dreg:$0x1];
	p0 =	sne.s32 s2, $0x0  }
0x17f: {  	s3 =	rddreg [dreg:$0x2];
	[bflag:$0x3] =	sbarrier.arrive $0xFFFF;
	s2 =	simm.s32 @!p0 $0x1C02  }
0x180: {  	[timem:s3], [sflag:s2] =	dma.local @!p0 [hbm:s0], s1  }
0x181: {  	s0 =	simm.s32 @!p0 $0x2  }
0x182: {  	_ =	swait.ge @!p0 [sflag:s0], s1  }
0x183: {  	s1 =	ssub.s32 @!p0 $0x0, s1;
	[sflag:s0] =	ssyncset.done @!p0 $0x0  }
0x184: {  	[sflag:s0] =	ssyncadd.s32 @!p0 s1  }
0x185: {  	[bflag:$0x3] =	sbarrier.arrive $0xFFFF  }
0x186: {  	_ =	shalt  }

</sc_bundles>
